<compile_context>
chip_gen: v7x
topology: tpu7x:2x2x1
jax: 0.10.2.dev20260603
libtpu: 0.0.44.dev20260713+nightly
codegen_flags: <defaults>
</compile_context>

<pallas_src>
import functools

import jax
import jax.numpy as jnp
from jax import lax
from jax.experimental import pallas as pl
from jax.experimental.pallas import tpu as pltpu
from jax.experimental.pallas import tpu_sc as plsc

N = 10000
E = 160000
NP = 10240
D = 256
DH = 128
NC = 2
NS = 16
EPC = E // NC
EPT_DEG = EPC // NS
DEG_CH = 40
EPT = E // NS
AGG_CH = 40
AGG_NCH = EPT // AGG_CH
RPT = 632
ZPT = NP // NS
BM = 1000

_sc_mesh = plsc.VectorSubcoreMesh(core_axis_name="c", subcore_axis_name="s")


@functools.partial(
    pl.kernel,
    out_type=(jax.ShapeDtypeStruct((NP,), jnp.float32),
              jax.ShapeDtypeStruct((NP,), jnp.float32)),
    mesh=_sc_mesh,
    scratch_types=[
        pltpu.VMEM((EPT_DEG,), jnp.int32),
        pltpu.VMEM((DEG_CH,), jnp.float32),
        pltpu.VMEM((ZPT,), jnp.float32),
        pltpu.VMEM_SHARED((NP,), jnp.float32),
    ],
)
def _deg_kernel(dst_hbm, deg0_hbm, deg1_hbm, idx_v, ones_v, z_v, deg_sh):
    c = lax.axis_index("c")
    s = lax.axis_index("s")
    one16 = jnp.ones((16,), jnp.float32)
    ones_v[pl.ds(0, 16)] = one16
    ones_v[pl.ds(16, 16)] = one16
    ones_v[pl.ds(24, 16)] = one16
    zero16 = jnp.zeros((16,), jnp.float32)

    def zfill(i, carry):
        z_v[pl.ds(i * 16, 16)] = zero16
        return carry

    lax.fori_loop(0, ZPT // 16, zfill, 0)
    pltpu.sync_copy(z_v, deg_sh.at[pl.ds(s * ZPT, ZPT)])
    plsc.subcore_barrier()

    base = c * EPC + s * EPT_DEG
    pltpu.sync_copy(dst_hbm.at[pl.ds(base, EPT_DEG)], idx_v)

    def body(i, carry):
        pltpu.sync_copy(ones_v,
                        deg_sh.at[idx_v.at[pl.ds(i * DEG_CH, DEG_CH)]],
                        add=True)
        return carry

    lax.fori_loop(0, EPT_DEG // DEG_CH, body, 0)
    plsc.subcore_barrier()

    @pl.when(c == 0)
    def _():
        pltpu.sync_copy(deg_sh.at[pl.ds(s * ZPT, ZPT)],
                        deg0_hbm.at[pl.ds(s * ZPT, ZPT)])

    @pl.when(c == 1)
    def _():
        pltpu.sync_copy(deg_sh.at[pl.ds(s * ZPT, ZPT)],
                        deg1_hbm.at[pl.ds(s * ZPT, ZPT)])


@functools.partial(
    pl.kernel,
    out_type=(jax.ShapeDtypeStruct((N, DH), jnp.float32),
              jax.ShapeDtypeStruct((N, DH), jnp.float32)),
    mesh=_sc_mesh,
    scratch_types=[
        pltpu.VMEM((EPT,), jnp.int32),
        pltpu.VMEM((EPT,), jnp.int32),
        pltpu.VMEM((AGG_CH, DH), jnp.float32),
        pltpu.VMEM((AGG_CH, DH), jnp.float32),
        pltpu.VMEM_SHARED((N, DH), jnp.float32),
        pltpu.SemaphoreType.DMA,
        pltpu.SemaphoreType.DMA,
    ],
)
def _agg_kernel(src_hbm, dst_hbm, hs0_hbm, hs1_hbm, out0_hbm, out1_hbm,
                srcv, dstv, rows_a, rows_b, acc_sh, sem_a, sem_b):
    c = lax.axis_index("c")
    s = lax.axis_index("s")

    def run(hs_hbm, out_hbm):
        @pl.when(s < NS - 1)
        def _():
            pltpu.sync_copy(hs_hbm.at[pl.ds(s * RPT, RPT)],
                            acc_sh.at[pl.ds(s * RPT, RPT)])

        @pl.when(s == NS - 1)
        def _():
            pltpu.sync_copy(hs_hbm.at[pl.ds((NS - 1) * RPT, N - (NS - 1) * RPT)],
                            acc_sh.at[pl.ds((NS - 1) * RPT, N - (NS - 1) * RPT)])

        pltpu.sync_copy(src_hbm.at[pl.ds(s * EPT, EPT)], srcv)
        pltpu.sync_copy(dst_hbm.at[pl.ds(s * EPT, EPT)], dstv)
        plsc.subcore_barrier()

        def gather(j, buf, sem):
            pltpu.async_copy(hs_hbm.at[srcv.at[pl.ds(j * AGG_CH, AGG_CH)]],
                             buf, sem)

        def drain(buf, sem):
            pltpu.make_async_copy(hs_hbm.at[pl.ds(0, AGG_CH)], buf, sem).wait()

        def scatter(j, buf):
            pltpu.sync_copy(buf,
                            acc_sh.at[dstv.at[pl.ds(j * AGG_CH, AGG_CH)]],
                            add=True)

        gather(0, rows_a, sem_a)

        def body(i, carry):
            gather(2 * i + 1, rows_b, sem_b)
            drain(rows_a, sem_a)
            scatter(2 * i, rows_a)

            @pl.when(i < AGG_NCH // 2 - 1)
            def _():
                gather(2 * i + 2, rows_a, sem_a)

            drain(rows_b, sem_b)
            scatter(2 * i + 1, rows_b)
            return carry

        lax.fori_loop(0, AGG_NCH // 2, body, 0)
        plsc.subcore_barrier()

        @pl.when(s < NS - 1)
        def _():
            pltpu.sync_copy(acc_sh.at[pl.ds(s * RPT, RPT)],
                            out_hbm.at[pl.ds(s * RPT, RPT)])

        @pl.when(s == NS - 1)
        def _():
            pltpu.sync_copy(acc_sh.at[pl.ds((NS - 1) * RPT, N - (NS - 1) * RPT)],
                            out_hbm.at[pl.ds((NS - 1) * RPT, N - (NS - 1) * RPT)])

    @pl.when(c == 0)
    def _():
        run(hs0_hbm, out0_hbm)

    @pl.when(c == 1)
    def _():
        run(hs1_hbm, out1_hbm)


def _mm1_body(feat_ref, w_ref, d0_ref, d1_ref, hs0_ref, hs1_ref, dinv_ref):
    dinv = lax.rsqrt(d0_ref[...] + d1_ref[...] + 1.0)
    h = jnp.dot(feat_ref[...], w_ref[...],
                preferred_element_type=jnp.float32)
    hs = h * dinv
    hs0_ref[...] = hs[:, :DH]
    hs1_ref[...] = hs[:, DH:]
    dinv_ref[...] = dinv


_mm1 = pl.pallas_call(
    _mm1_body,
    grid=(N // BM,),
    in_specs=[
        pl.BlockSpec((BM, D), lambda i: (i, 0)),
        pl.BlockSpec((D, D), lambda i: (0, 0)),
        pl.BlockSpec((BM, 1), lambda i: (i, 0)),
        pl.BlockSpec((BM, 1), lambda i: (i, 0)),
    ],
    out_specs=[
        pl.BlockSpec((BM, DH), lambda i: (i, 0)),
        pl.BlockSpec((BM, DH), lambda i: (i, 0)),
        pl.BlockSpec((BM, 1), lambda i: (i, 0)),
    ],
    out_shape=[
        jax.ShapeDtypeStruct((N, DH), jnp.float32),
        jax.ShapeDtypeStruct((N, DH), jnp.float32),
        jax.ShapeDtypeStruct((N, 1), jnp.float32),
    ],
)


def _mm2_body(a0_ref, a1_ref, dinv_ref, b_ref, w_ref, o0_ref, o1_ref):
    dinv = dinv_ref[...]
    x = jnp.concatenate([a0_ref[...], a1_ref[...]], axis=1) * dinv + b_ref[...]
    x = jnp.maximum(x, 0.0)
    h = jnp.dot(x, w_ref[...], preferred_element_type=jnp.float32)
    hs = h * dinv
    o0_ref[...] = hs[:, :DH]
    o1_ref[...] = hs[:, DH:]


_mm2 = pl.pallas_call(
    _mm2_body,
    grid=(N // BM,),
    in_specs=[
        pl.BlockSpec((BM, DH), lambda i: (i, 0)),
        pl.BlockSpec((BM, DH), lambda i: (i, 0)),
        pl.BlockSpec((BM, 1), lambda i: (i, 0)),
        pl.BlockSpec((1, D), lambda i: (0, 0)),
        pl.BlockSpec((D, D), lambda i: (0, 0)),
    ],
    out_specs=[
        pl.BlockSpec((BM, DH), lambda i: (i, 0)),
        pl.BlockSpec((BM, DH), lambda i: (i, 0)),
    ],
    out_shape=[
        jax.ShapeDtypeStruct((N, DH), jnp.float32),
        jax.ShapeDtypeStruct((N, DH), jnp.float32),
    ],
)


def _tail_body(a0_ref, a1_ref, dinv_ref, b2_ref, w0_ref, b0_ref,
               wf1_ref, bf1_ref, wf2_ref, bf2_ref,
               emb_ref, log_ref, gmax_ref):
    i = pl.program_id(0)
    x = jnp.concatenate([a0_ref[...], a1_ref[...]], axis=1) * dinv_ref[...] \
        + b2_ref[...]
    x = jnp.maximum(x, 0.0)
    m = jnp.max(x, axis=0, keepdims=True)

    @pl.when(i == 0)
    def _():
        gmax_ref[...] = m

    @pl.when(i > 0)
    def _():
        gmax_ref[...] = jnp.maximum(gmax_ref[...], m)

    @pl.when(i == pl.num_programs(0) - 1)
    def _():
        g = gmax_ref[...]
        emb = jnp.dot(g, w0_ref[...], preferred_element_type=jnp.float32) \
            + b0_ref[...]
        emb_ref[...] = emb
        hh = jnp.maximum(
            jnp.dot(emb, wf1_ref[...], preferred_element_type=jnp.float32)
            + bf1_ref[...], 0.0)
        log_ref[...] = jnp.dot(hh, wf2_ref[...],
                               preferred_element_type=jnp.float32) + bf2_ref[...]


_tail = pl.pallas_call(
    _tail_body,
    grid=(N // BM,),
    in_specs=[
        pl.BlockSpec((BM, DH), lambda i: (i, 0)),
        pl.BlockSpec((BM, DH), lambda i: (i, 0)),
        pl.BlockSpec((BM, 1), lambda i: (i, 0)),
        pl.BlockSpec((1, D), lambda i: (0, 0)),
        pl.BlockSpec((D, DH), lambda i: (0, 0)),
        pl.BlockSpec((1, DH), lambda i: (0, 0)),
        pl.BlockSpec((DH, D), lambda i: (0, 0)),
        pl.BlockSpec((1, D), lambda i: (0, 0)),
        pl.BlockSpec((D, 10), lambda i: (0, 0)),
        pl.BlockSpec((1, 10), lambda i: (0, 0)),
    ],
    out_specs=[
        pl.BlockSpec((1, DH), lambda i: (0, 0)),
        pl.BlockSpec((1, 10), lambda i: (0, 0)),
    ],
    out_shape=[
        jax.ShapeDtypeStruct((1, DH), jnp.float32),
        jax.ShapeDtypeStruct((1, 10), jnp.float32),
    ],
    scratch_shapes=[pltpu.VMEM((1, D), jnp.float32)],
)


def kernel(features, edge_index, W1, b1, W2, b2, W0, b0, Wf1, bf1, Wf2, bf2):
    src = edge_index[0]
    dst = edge_index[1]

    d0p, d1p = _deg_kernel(dst)
    d0 = d0p[:N].reshape(N, 1)
    d1 = d1p[:N].reshape(N, 1)

    hs0, hs1, dinv = _mm1(features, W1, d0, d1)
    a0, a1 = _agg_kernel(src, dst, hs0, hs1)
    g0, g1 = _mm2(a0, a1, dinv, b1.reshape(1, D), W2)
    c0, c1 = _agg_kernel(src, dst, g0, g1)
    emb, logits = _tail(c0, c1, dinv, b2.reshape(1, D),
                        W0, b0.reshape(1, DH),
                        Wf1, bf1.reshape(1, D),
                        Wf2, bf2.reshape(1, 10))
    return emb.reshape(DH), logits.reshape(10)

# --- scband reference (transcript-rebuilt; emitter-appended) ---
"""Pipeline reference for scband-contrastive-and-classification-model-12257836663455 (READ-ONLY COPY).

The authoritative reference and input builder live on the scoring server;
editing this copy changes nothing except your own understanding.
"""

import jax, jax.numpy as jnp
import numpy as np

N = 10000
E = 160000
D_IN = 256
H1 = 256
H2 = 256
EMB = 128
HID = 256
NCLS = 10


def setup_inputs(seed: int = 0) -> dict:
    key = jax.random.key(seed)
    ks = jax.random.split(key, 12)
    features = jax.random.normal(ks[0], (N, D_IN), dtype=jnp.float32)
    edge_index = jax.random.randint(ks[1], (2, E), 0, N, dtype=jnp.int32)
    W1 = jax.random.normal(ks[2], (D_IN, H1), dtype=jnp.float32) * 0.05
    b1 = jnp.zeros((H1,), dtype=jnp.float32)
    W2 = jax.random.normal(ks[3], (H1, H2), dtype=jnp.float32) * 0.05
    b2 = jnp.zeros((H2,), dtype=jnp.float32)
    W0 = jax.random.normal(ks[4], (H2, EMB), dtype=jnp.float32) * 0.05
    b0 = jnp.zeros((EMB,), dtype=jnp.float32)
    Wf1 = jax.random.normal(ks[5], (EMB, HID), dtype=jnp.float32) * 0.05
    bf1 = jnp.zeros((HID,), dtype=jnp.float32)
    Wf2 = jax.random.normal(ks[6], (HID, NCLS), dtype=jnp.float32) * 0.05
    bf2 = jnp.zeros((NCLS,), dtype=jnp.float32)
    return {"features": features, "edge_index": edge_index,
            "W1": W1, "b1": b1, "W2": W2, "b2": b2,
            "W0": W0, "b0": b0, "Wf1": Wf1, "bf1": bf1,
            "Wf2": Wf2, "bf2": bf2}


def _gcn_conv(x, W, b, src, dst, n):
    # GCNConv with add_self_loops=True (self loops already appended to src/dst)
    # and symmetric normalization D^-1/2 (A+I) D^-1/2.
    h = x @ W
    deg = jnp.zeros((n,), dtype=x.dtype).at[dst].add(1.0)
    dinv = jnp.where(deg > 0, 1.0 / jnp.sqrt(deg), 0.0)
    norm = dinv[src] * dinv[dst]
    msg = h[src] * norm[:, None]
    out = jnp.zeros((n, h.shape[1]), dtype=x.dtype).at[dst].add(msg)
    return out + b


def reference(features, edge_index, W1, b1, W2, b2, W0, b0, Wf1, bf1, Wf2, bf2):
    n = features.shape[0]
    loop = jnp.arange(n, dtype=edge_index.dtype)
    src = jnp.concatenate([edge_index[0], loop])
    dst = jnp.concatenate([edge_index[1], loop])
    x = jax.nn.relu(_gcn_conv(features, W1, b1, src, dst, n))
    x = jax.nn.relu(_gcn_conv(x, W2, b2, src, dst, n))
    g = jnp.max(x, axis=0)
    x_embedding = g @ W0 + b0
    h = jax.nn.relu(x_embedding @ Wf1 + bf1)
    logits = h @ Wf2 + bf2
    return (x_embedding, logits)

if __name__ == "__main__":
    import jax
    _d = setup_inputs()
    print(jax.jit(kernel)(*tuple(_d.values())))

</pallas_src>

<mosaic_0001>
#map = affine_map<(d0, d1) -> (0)>
#map1 = affine_map<(d0, d1) -> (0, 0)>
module attributes {stable_mosaic.version = 14 : i64} {
  func.func @_agg_kernel(%arg0: i32, %arg1: i32, %arg2: memref<160000xi32, #tpu.memory_space<hbm>>, %arg3: memref<160000xi32, #tpu.memory_space<hbm>>, %arg4: memref<10000x128xf32, #tpu.memory_space<hbm>>, %arg5: memref<10000x128xf32, #tpu.memory_space<hbm>>, %arg6: memref<10000x128xf32, #tpu.memory_space<hbm>>, %arg7: memref<10000x128xf32, #tpu.memory_space<hbm>>, %arg8: memref<10000xi32, #tpu.memory_space<vmem>>, %arg9: memref<10000xi32, #tpu.memory_space<vmem>>, %arg10: memref<40x128xf32, #tpu.memory_space<vmem>>, %arg11: memref<40x128xf32, #tpu.memory_space<vmem>>, %arg12: memref<10000x128xf32, #tpu.memory_space<vmem_shared>>, %arg13: memref<!tpu.dma_semaphore, #tpu.memory_space<semaphore_mem>>, %arg14: memref<!tpu.dma_semaphore, #tpu.memory_space<semaphore_mem>>) attributes {dimension_semantics = [#tpu.dimension_semantics<core_parallel>, #tpu.dimension_semantics<subcore_parallel>], iteration_bounds = array<i64: 2, 16>, scalar_prefetch = 0 : i64, scratch_operands = 7 : i64, tpu.core_type = #tpu.core_type<sc_vector_subcore>, window_params = [{transform_indices = #map}, {transform_indices = #map}, {transform_indices = #map1}, {transform_indices = #map1}, {transform_indices = #map1}, {transform_indices = #map1}]} {
    %eq3A = arith.constant 0 : i32
    %eq3A_0 = arith.cmpi eq, %arg0, %eq3A : i32
    %convert_element_type3A = arith.extui %eq3A_0 : i1 to i32
    %cond3A = arith.constant 0 : i32
    %cond3A_1 = arith.cmpi ne, %convert_element_type3A, %cond3A : i32
    scf.if %cond3A_1 {
      %lt3A = arith.constant 15 : i32
      %lt3A_7 = arith.cmpi slt, %arg1, %lt3A : i32
      %convert_element_type3A_8 = arith.extui %lt3A_7 : i1 to i32
      %cond3A_9 = arith.constant 0 : i32
      %cond3A_10 = arith.cmpi ne, %convert_element_type3A_8, %cond3A_9 : i32
      scf.if %cond3A_10 {
        %mul3A_39 = arith.constant 632 : i32
        %mul3A_40 = arith.muli %arg1, %mul3A_39 : i32
        %mul3A_41 = arith.constant 632 : i32
        %mul3A_42 = arith.muli %arg1, %mul3A_41 : i32
        "tpu.region"() ({
          %run_scoped3A = tpu.sem_alloc : memref<!tpu.dma_semaphore, #tpu.memory_space<semaphore_mem>>
          %dma_start3A_43 = arith.constant 0 : i32
          %dma_start3A_44 = tpu.memref_slice %arg12[%mul3A_42, %dma_start3A_43] : memref<10000x128xf32, #tpu.memory_space<vmem_shared>> -> memref<632x128xf32, #tpu.memory_space<vmem_shared>>
          %dma_start3A_45 = arith.constant 0 : i32
          %dma_start3A_46 = tpu.memref_slice %arg4[%mul3A_40, %dma_start3A_45] : memref<10000x128xf32, #tpu.memory_space<hbm>> -> memref<632x128xf32, #tpu.memory_space<hbm>>
          tpu.enqueue_dma source(%dma_start3A_46 : memref<632x128xf32, #tpu.memory_space<hbm>>) target(%dma_start3A_44 : memref<632x128xf32, #tpu.memory_space<vmem_shared>>) target_semaphore(%run_scoped3A : memref<!tpu.dma_semaphore, #tpu.memory_space<semaphore_mem>>)
          %dma_wait3A = arith.constant 0 : i32
          %dma_wait3A_47 = tpu.memref_slice %arg12[%mul3A_42, %dma_wait3A] : memref<10000x128xf32, #tpu.memory_space<vmem_shared>> -> memref<632x128xf32, #tpu.memory_space<vmem_shared>>
          %dma_wait3A_48 = arith.constant 0 : i32
          %dma_wait3A_49 = tpu.memref_slice %arg4[%mul3A_40, %dma_wait3A_48] : memref<10000x128xf32, #tpu.memory_space<hbm>> -> memref<632x128xf32, #tpu.memory_space<hbm>>
          tpu.wait_dma2 semaphore(%run_scoped3A : memref<!tpu.dma_semaphore, #tpu.memory_space<semaphore_mem>>) src(%dma_wait3A_49 : memref<632x128xf32, #tpu.memory_space<hbm>>) dst(%dma_wait3A_47 : memref<632x128xf32, #tpu.memory_space<vmem_shared>>)
          tpu.yield
        }) : () -> ()
      } else {
      }
      %eq3A_11 = arith.constant 15 : i32
      %eq3A_12 = arith.cmpi eq, %arg1, %eq3A_11 : i32
      %convert_element_type3A_13 = arith.extui %eq3A_12 : i1 to i32
      %cond3A_14 = arith.constant 0 : i32
      %cond3A_15 = arith.cmpi ne, %convert_element_type3A_13, %cond3A_14 : i32
      scf.if %cond3A_15 {
        "tpu.region"() ({
          %run_scoped3A = tpu.sem_alloc : memref<!tpu.dma_semaphore, #tpu.memory_space<semaphore_mem>>
          %dma_start3A_39 = arith.constant 9480 : i32
          %dma_start3A_40 = arith.constant 0 : i32
          %dma_start3A_41 = tpu.memref_slice %arg12[%dma_start3A_39, %dma_start3A_40] : memref<10000x128xf32, #tpu.memory_space<vmem_shared>> -> memref<520x128xf32, #tpu.memory_space<vmem_shared>>
          %dma_start3A_42 = arith.constant 9480 : i32
          %dma_start3A_43 = arith.constant 0 : i32
          %dma_start3A_44 = tpu.memref_slice %arg4[%dma_start3A_42, %dma_start3A_43] : memref<10000x128xf32, #tpu.memory_space<hbm>> -> memref<520x128xf32, #tpu.memory_space<hbm>>
          tpu.enqueue_dma source(%dma_start3A_44 : memref<520x128xf32, #tpu.memory_space<hbm>>) target(%dma_start3A_41 : memref<520x128xf32, #tpu.memory_space<vmem_shared>>) target_semaphore(%run_scoped3A : memref<!tpu.dma_semaphore, #tpu.memory_space<semaphore_mem>>)
          %dma_wait3A = arith.constant 9480 : i32
          %dma_wait3A_45 = arith.constant 0 : i32
          %dma_wait3A_46 = tpu.memref_slice %arg12[%dma_wait3A, %dma_wait3A_45] : memref<10000x128xf32, #tpu.memory_space<vmem_shared>> -> memref<520x128xf32, #tpu.memory_space<vmem_shared>>
          %dma_wait3A_47 = arith.constant 9480 : i32
          %dma_wait3A_48 = arith.constant 0 : i32
          %dma_wait3A_49 = tpu.memref_slice %arg4[%dma_wait3A_47, %dma_wait3A_48] : memref<10000x128xf32, #tpu.memory_space<hbm>> -> memref<520x128xf32, #tpu.memory_space<hbm>>
          tpu.wait_dma2 semaphore(%run_scoped3A : memref<!tpu.dma_semaphore, #tpu.memory_space<semaphore_mem>>) src(%dma_wait3A_49 : memref<520x128xf32, #tpu.memory_space<hbm>>) dst(%dma_wait3A_46 : memref<520x128xf32, #tpu.memory_space<vmem_shared>>)
          tpu.yield
        }) : () -> ()
      } else {
      }
      %mul3A = arith.constant 10000 : i32
      %mul3A_16 = arith.muli %arg1, %mul3A : i32
      "tpu.region"() ({
        %run_scoped3A = tpu.sem_alloc : memref<!tpu.dma_semaphore, #tpu.memory_space<semaphore_mem>>
        %dma_start3A_39 = tpu.memref_slice %arg2[%mul3A_16] : memref<160000xi32, #tpu.memory_space<hbm>> -> memref<10000xi32, #tpu.memory_space<hbm>>
        %dma_start3A_40 = tpu.memref_slice %arg2[%mul3A_16] : memref<160000xi32, #tpu.memory_space<hbm>> -> memref<10000xi32, #tpu.memory_space<hbm>>
        tpu.enqueue_dma source(%dma_start3A_40 : memref<10000xi32, #tpu.memory_space<hbm>>) target(%arg8 : memref<10000xi32, #tpu.memory_space<vmem>>) target_semaphore(%run_scoped3A : memref<!tpu.dma_semaphore, #tpu.memory_space<semaphore_mem>>)
        %dma_wait3A = tpu.memref_slice %arg2[%mul3A_16] : memref<160000xi32, #tpu.memory_space<hbm>> -> memref<10000xi32, #tpu.memory_space<hbm>>
        %dma_wait3A_41 = tpu.memref_slice %arg2[%mul3A_16] : memref<160000xi32, #tpu.memory_space<hbm>> -> memref<10000xi32, #tpu.memory_space<hbm>>
        tpu.wait_dma2 semaphore(%run_scoped3A : memref<!tpu.dma_semaphore, #tpu.memory_space<semaphore_mem>>) src(%dma_wait3A_41 : memref<10000xi32, #tpu.memory_space<hbm>>) dst(%arg8 : memref<10000xi32, #tpu.memory_space<vmem>>)
        tpu.yield
      }) : () -> ()
      %mul3A_17 = arith.constant 10000 : i32
      %mul3A_18 = arith.muli %arg1, %mul3A_17 : i32
      "tpu.region"() ({
        %run_scoped3A = tpu.sem_alloc : memref<!tpu.dma_semaphore, #tpu.memory_space<semaphore_mem>>
        %dma_start3A_39 = tpu.memref_slice %arg3[%mul3A_18] : memref<160000xi32, #tpu.memory_space<hbm>> -> memref<10000xi32, #tpu.memory_space<hbm>>
        %dma_start3A_40 = tpu.memref_slice %arg3[%mul3A_18] : memref<160000xi32, #tpu.memory_space<hbm>> -> memref<10000xi32, #tpu.memory_space<hbm>>
        tpu.enqueue_dma source(%dma_start3A_40 : memref<10000xi32, #tpu.memory_space<hbm>>) target(%arg9 : memref<10000xi32, #tpu.memory_space<vmem>>) target_semaphore(%run_scoped3A : memref<!tpu.dma_semaphore, #tpu.memory_space<semaphore_mem>>)
        %dma_wait3A = tpu.memref_slice %arg3[%mul3A_18] : memref<160000xi32, #tpu.memory_space<hbm>> -> memref<10000xi32, #tpu.memory_space<hbm>>
        %dma_wait3A_41 = tpu.memref_slice %arg3[%mul3A_18] : memref<160000xi32, #tpu.memory_space<hbm>> -> memref<10000xi32, #tpu.memory_space<hbm>>
        tpu.wait_dma2 semaphore(%run_scoped3A : memref<!tpu.dma_semaphore, #tpu.memory_space<semaphore_mem>>) src(%dma_wait3A_41 : memref<10000xi32, #tpu.memory_space<hbm>>) dst(%arg9 : memref<10000xi32, #tpu.memory_space<vmem>>)
        tpu.yield
      }) : () -> ()
      %barrier3A = arith.constant 0 : index
      tpu.barrier barrier_id(%barrier3A)
      %dma_start3A = arith.constant 0 : i32
      %dma_start3A_19 = tpu.memref_slice %arg8[%dma_start3A] : memref<10000xi32, #tpu.memory_space<vmem>> -> memref<40xi32, #tpu.memory_space<vmem>>
      %dma_start3A_20 = arith.constant 0 : i32
      %dma_start3A_21 = arith.constant 0 : i32
      %dma_start3A_22 = tpu.memref_slice %arg4[%dma_start3A_20, %dma_start3A_21] : memref<10000x128xf32, #tpu.memory_space<hbm>> -> memref<10000x128xf32, #tpu.memory_space<hbm>>
      tpu.enqueue_indirect_dma source(%dma_start3A_22 : memref<10000x128xf32, #tpu.memory_space<hbm>>) target(%arg10 : memref<40x128xf32, #tpu.memory_space<vmem>>) offsets(%dma_start3A_19 : memref<40xi32, #tpu.memory_space<vmem>>) semaphore(%arg13 : memref<!tpu.dma_semaphore, #tpu.memory_space<semaphore_mem>>)
      %scan3A = arith.constant 0 : i32
      %scan3A_23 = arith.constant 0 : i32
      %scan3A_24 = arith.constant 125 : i32
      %scan3A_25 = arith.addi %scan3A_23, %scan3A_24 : i32
      %scan3A_26 = arith.constant 1 : i32
      scf.for %scan3A_39 = %scan3A_23 to %scan3A_25 step %scan3A_26  : i32 {
        %mul3A_40 = arith.constant 2 : i32
        %mul3A_41 = arith.muli %mul3A_40, %scan3A_39 : i32
        %add3A = arith.constant 1 : i32
        %add3A_42 = arith.addi %mul3A_41, %add3A : i32
        %mul3A_43 = arith.constant 40 : i32
        %mul3A_44 = arith.muli %add3A_42, %mul3A_43 : i32
        %dma_start3A_45 = tpu.memref_slice %arg8[%mul3A_44] : memref<10000xi32, #tpu.memory_space<vmem>> -> memref<40xi32, #tpu.memory_space<vmem>>
        %dma_start3A_46 = arith.constant 0 : i32
        %dma_start3A_47 = arith.constant 0 : i32
        %dma_start3A_48 = tpu.memref_slice %arg4[%dma_start3A_46, %dma_start3A_47] : memref<10000x128xf32, #tpu.memory_space<hbm>> -> memref<10000x128xf32, #tpu.memory_space<hbm>>
        tpu.enqueue_indirect_dma source(%dma_start3A_48 : memref<10000x128xf32, #tpu.memory_space<hbm>>) target(%arg11 : memref<40x128xf32, #tpu.memory_space<vmem>>) offsets(%dma_start3A_45 : memref<40xi32, #tpu.memory_space<vmem>>) semaphore(%arg14 : memref<!tpu.dma_semaphore, #tpu.memory_space<semaphore_mem>>)
        %dma_wait3A = arith.constant 0 : i32
        %dma_wait3A_49 = arith.constant 0 : i32
        %dma_wait3A_50 = tpu.memref_slice %arg4[%dma_wait3A, %dma_wait3A_49] : memref<10000x128xf32, #tpu.memory_space<hbm>> -> memref<40x128xf32, #tpu.memory_space<hbm>>
        %dma_wait3A_51 = arith.constant 0 : i32
        %dma_wait3A_52 = arith.constant 0 : i32
        %dma_wait3A_53 = tpu.memref_slice %arg4[%dma_wait3A_51, %dma_wait3A_52] : memref<10000x128xf32, #tpu.memory_space<hbm>> -> memref<40x128xf32, #tpu.memory_space<hbm>>
        tpu.wait_dma2 semaphore(%arg13 : memref<!tpu.dma_semaphore, #tpu.memory_space<semaphore_mem>>) src(%dma_wait3A_53 : memref<40x128xf32, #tpu.memory_space<hbm>>) dst(%arg10 : memref<40x128xf32, #tpu.memory_space<vmem>>)
        %mul3A_54 = arith.constant 2 : i32
        %mul3A_55 = arith.muli %mul3A_54, %scan3A_39 : i32
        %mul3A_56 = arith.constant 40 : i32
        %mul3A_57 = arith.muli %mul3A_55, %mul3A_56 : i32
        "tpu.region"() ({
          %run_scoped3A = tpu.sem_alloc : memref<!tpu.dma_semaphore, #tpu.memory_space<semaphore_mem>>
          %dma_start3A_75 = tpu.memref_slice %arg9[%mul3A_57] : memref<10000xi32, #tpu.memory_space<vmem>> -> memref<40xi32, #tpu.memory_space<vmem>>
          %dma_start3A_76 = arith.constant 0 : i32
          %dma_start3A_77 = arith.constant 0 : i32
          %dma_start3A_78 = tpu.memref_slice %arg12[%dma_start3A_76, %dma_start3A_77] : memref<10000x128xf32, #tpu.memory_space<vmem_shared>> -> memref<10000x128xf32, #tpu.memory_space<vmem_shared>>
          tpu.enqueue_indirect_dma source(%arg10 : memref<40x128xf32, #tpu.memory_space<vmem>>) target(%dma_start3A_78 : memref<10000x128xf32, #tpu.memory_space<vmem_shared>>) offsets(%dma_start3A_75 : memref<40xi32, #tpu.memory_space<vmem>>) semaphore(%run_scoped3A : memref<!tpu.dma_semaphore, #tpu.memory_space<semaphore_mem>>) {add = true}
          %dma_wait3A_79 = tpu.memref_slice %arg9[%mul3A_57] : memref<10000xi32, #tpu.memory_space<vmem>> -> memref<40xi32, #tpu.memory_space<vmem>>
          %dma_wait3A_80 = arith.constant 0 : i32
          %dma_wait3A_81 = arith.constant 0 : i32
          %dma_wait3A_82 = tpu.memref_slice %arg12[%dma_wait3A_80, %dma_wait3A_81] : memref<10000x128xf32, #tpu.memory_space<vmem_shared>> -> memref<10000x128xf32, #tpu.memory_space<vmem_shared>>
          tpu.wait_indirect_dma semaphore(%run_scoped3A : memref<!tpu.dma_semaphore, #tpu.memory_space<semaphore_mem>>) src(%arg10 : memref<40x128xf32, #tpu.memory_space<vmem>>) dst(%dma_wait3A_82 : memref<10000x128xf32, #tpu.memory_space<vmem_shared>>)
          tpu.yield
        }) : () -> ()
        %lt3A_58 = arith.constant 124 : i32
        %lt3A_59 = arith.cmpi slt, %scan3A_39, %lt3A_58 : i32
        %convert_element_type3A_60 = arith.extui %lt3A_59 : i1 to i32
        %cond3A_61 = arith.constant 0 : i32
        %cond3A_62 = arith.cmpi ne, %convert_element_type3A_60, %cond3A_61 : i32
        scf.if %cond3A_62 {
          %mul3A_75 = arith.constant 2 : i32
          %mul3A_76 = arith.muli %mul3A_75, %scan3A_39 : i32
          %add3A_77 = arith.constant 2 : i32
          %add3A_78 = arith.addi %mul3A_76, %add3A_77 : i32
          %mul3A_79 = arith.constant 40 : i32
          %mul3A_80 = arith.muli %add3A_78, %mul3A_79 : i32
          %dma_start3A_81 = tpu.memref_slice %arg8[%mul3A_80] : memref<10000xi32, #tpu.memory_space<vmem>> -> memref<40xi32, #tpu.memory_space<vmem>>
          %dma_start3A_82 = arith.constant 0 : i32
          %dma_start3A_83 = arith.constant 0 : i32
          %dma_start3A_84 = tpu.memref_slice %arg4[%dma_start3A_82, %dma_start3A_83] : memref<10000x128xf32, #tpu.memory_space<hbm>> -> memref<10000x128xf32, #tpu.memory_space<hbm>>
          tpu.enqueue_indirect_dma source(%dma_start3A_84 : memref<10000x128xf32, #tpu.memory_space<hbm>>) target(%arg10 : memref<40x128xf32, #tpu.memory_space<vmem>>) offsets(%dma_start3A_81 : memref<40xi32, #tpu.memory_space<vmem>>) semaphore(%arg13 : memref<!tpu.dma_semaphore, #tpu.memory_space<semaphore_mem>>)
        } else {
        }
        %dma_wait3A_63 = arith.constant 0 : i32
        %dma_wait3A_64 = arith.constant 0 : i32
        %dma_wait3A_65 = tpu.memref_slice %arg4[%dma_wait3A_63, %dma_wait3A_64] : memref<10000x128xf32, #tpu.memory_space<hbm>> -> memref<40x128xf32, #tpu.memory_space<hbm>>
        %dma_wait3A_66 = arith.constant 0 : i32
        %dma_wait3A_67 = arith.constant 0 : i32
        %dma_wait3A_68 = tpu.memref_slice %arg4[%dma_wait3A_66, %dma_wait3A_67] : memref<10000x128xf32, #tpu.memory_space<hbm>> -> memref<40x128xf32, #tpu.memory_space<hbm>>
        tpu.wait_dma2 semaphore(%arg14 : memref<!tpu.dma_semaphore, #tpu.memory_space<semaphore_mem>>) src(%dma_wait3A_68 : memref<40x128xf32, #tpu.memory_space<hbm>>) dst(%arg11 : memref<40x128xf32, #tpu.memory_space<vmem>>)
        %mul3A_69 = arith.constant 2 : i32
        %mul3A_70 = arith.muli %mul3A_69, %scan3A_39 : i32
        %add3A_71 = arith.constant 1 : i32
        %add3A_72 = arith.addi %mul3A_70, %add3A_71 : i32
        %mul3A_73 = arith.constant 40 : i32
        %mul3A_74 = arith.muli %add3A_72, %mul3A_73 : i32
        "tpu.region"() ({
          %run_scoped3A = tpu.sem_alloc : memref<!tpu.dma_semaphore, #tpu.memory_space<semaphore_mem>>
          %dma_start3A_75 = tpu.memref_slice %arg9[%mul3A_74] : memref<10000xi32, #tpu.memory_space<vmem>> -> memref<40xi32, #tpu.memory_space<vmem>>
          %dma_start3A_76 = arith.constant 0 : i32
          %dma_start3A_77 = arith.constant 0 : i32
          %dma_start3A_78 = tpu.memref_slice %arg12[%dma_start3A_76, %dma_start3A_77] : memref<10000x128xf32, #tpu.memory_space<vmem_shared>> -> memref<10000x128xf32, #tpu.memory_space<vmem_shared>>
          tpu.enqueue_indirect_dma source(%arg11 : memref<40x128xf32, #tpu.memory_space<vmem>>) target(%dma_start3A_78 : memref<10000x128xf32, #tpu.memory_space<vmem_shared>>) offsets(%dma_start3A_75 : memref<40xi32, #tpu.memory_space<vmem>>) semaphore(%run_scoped3A : memref<!tpu.dma_semaphore, #tpu.memory_space<semaphore_mem>>) {add = true}
          %dma_wait3A_79 = tpu.memref_slice %arg9[%mul3A_74] : memref<10000xi32, #tpu.memory_space<vmem>> -> memref<40xi32, #tpu.memory_space<vmem>>
          %dma_wait3A_80 = arith.constant 0 : i32
          %dma_wait3A_81 = arith.constant 0 : i32
          %dma_wait3A_82 = tpu.memref_slice %arg12[%dma_wait3A_80, %dma_wait3A_81] : memref<10000x128xf32, #tpu.memory_space<vmem_shared>> -> memref<10000x128xf32, #tpu.memory_space<vmem_shared>>
          tpu.wait_indirect_dma semaphore(%run_scoped3A : memref<!tpu.dma_semaphore, #tpu.memory_space<semaphore_mem>>) src(%arg11 : memref<40x128xf32, #tpu.memory_space<vmem>>) dst(%dma_wait3A_82 : memref<10000x128xf32, #tpu.memory_space<vmem_shared>>)
          tpu.yield
        }) : () -> ()
      }
      %scan3A_27 = arith.constant 125 : i32
      %barrier3A_28 = arith.constant 0 : index
      tpu.barrier barrier_id(%barrier3A_28)
      %lt3A_29 = arith.constant 15 : i32
      %lt3A_30 = arith.cmpi slt, %arg1, %lt3A_29 : i32
      %convert_element_type3A_31 = arith.extui %lt3A_30 : i1 to i32
      %cond3A_32 = arith.constant 0 : i32
      %cond3A_33 = arith.cmpi ne, %convert_element_type3A_31, %cond3A_32 : i32
      scf.if %cond3A_33 {
        %mul3A_39 = arith.constant 632 : i32
        %mul3A_40 = arith.muli %arg1, %mul3A_39 : i32
        %mul3A_41 = arith.constant 632 : i32
        %mul3A_42 = arith.muli %arg1, %mul3A_41 : i32
        "tpu.region"() ({
          %run_scoped3A = tpu.sem_alloc : memref<!tpu.dma_semaphore, #tpu.memory_space<semaphore_mem>>
          %dma_start3A_43 = arith.constant 0 : i32
          %dma_start3A_44 = tpu.memref_slice %arg6[%mul3A_42, %dma_start3A_43] : memref<10000x128xf32, #tpu.memory_space<hbm>> -> memref<632x128xf32, #tpu.memory_space<hbm>>
          %dma_start3A_45 = arith.constant 0 : i32
          %dma_start3A_46 = tpu.memref_slice %arg12[%mul3A_40, %dma_start3A_45] : memref<10000x128xf32, #tpu.memory_space<vmem_shared>> -> memref<632x128xf32, #tpu.memory_space<vmem_shared>>
          tpu.enqueue_dma source(%dma_start3A_46 : memref<632x128xf32, #tpu.memory_space<vmem_shared>>) target(%dma_start3A_44 : memref<632x128xf32, #tpu.memory_space<hbm>>) target_semaphore(%run_scoped3A : memref<!tpu.dma_semaphore, #tpu.memory_space<semaphore_mem>>)
          %dma_wait3A = arith.constant 0 : i32
          %dma_wait3A_47 = tpu.memref_slice %arg6[%mul3A_42, %dma_wait3A] : memref<10000x128xf32, #tpu.memory_space<hbm>> -> memref<632x128xf32, #tpu.memory_space<hbm>>
          %dma_wait3A_48 = arith.constant 0 : i32
          %dma_wait3A_49 = tpu.memref_slice %arg12[%mul3A_40, %dma_wait3A_48] : memref<10000x128xf32, #tpu.memory_space<vmem_shared>> -> memref<632x128xf32, #tpu.memory_space<vmem_shared>>
          tpu.wait_dma2 semaphore(%run_scoped3A : memref<!tpu.dma_semaphore, #tpu.memory_space<semaphore_mem>>) src(%dma_wait3A_49 : memref<632x128xf32, #tpu.memory_space<vmem_shared>>) dst(%dma_wait3A_47 : memref<632x128xf32, #tpu.memory_space<hbm>>)
          tpu.yield
        }) : () -> ()
      } else {
      }
      %eq3A_34 = arith.constant 15 : i32
      %eq3A_35 = arith.cmpi eq, %arg1, %eq3A_34 : i32
      %convert_element_type3A_36 = arith.extui %eq3A_35 : i1 to i32
      %cond3A_37 = arith.constant 0 : i32
      %cond3A_38 = arith.cmpi ne, %convert_element_type3A_36, %cond3A_37 : i32
      scf.if %cond3A_38 {
        "tpu.region"() ({
          %run_scoped3A = tpu.sem_alloc : memref<!tpu.dma_semaphore, #tpu.memory_space<semaphore_mem>>
          %dma_start3A_39 = arith.constant 9480 : i32
          %dma_start3A_40 = arith.constant 0 : i32
          %dma_start3A_41 = tpu.memref_slice %arg6[%dma_start3A_39, %dma_start3A_40] : memref<10000x128xf32, #tpu.memory_space<hbm>> -> memref<520x128xf32, #tpu.memory_space<hbm>>
          %dma_start3A_42 = arith.constant 9480 : i32
          %dma_start3A_43 = arith.constant 0 : i32
          %dma_start3A_44 = tpu.memref_slice %arg12[%dma_start3A_42, %dma_start3A_43] : memref<10000x128xf32, #tpu.memory_space<vmem_shared>> -> memref<520x128xf32, #tpu.memory_space<vmem_shared>>
          tpu.enqueue_dma source(%dma_start3A_44 : memref<520x128xf32, #tpu.memory_space<vmem_shared>>) target(%dma_start3A_41 : memref<520x128xf32, #tpu.memory_space<hbm>>) target_semaphore(%run_scoped3A : memref<!tpu.dma_semaphore, #tpu.memory_space<semaphore_mem>>)
          %dma_wait3A = arith.constant 9480 : i32
          %dma_wait3A_45 = arith.constant 0 : i32
          %dma_wait3A_46 = tpu.memref_slice %arg6[%dma_wait3A, %dma_wait3A_45] : memref<10000x128xf32, #tpu.memory_space<hbm>> -> memref<520x128xf32, #tpu.memory_space<hbm>>
          %dma_wait3A_47 = arith.constant 9480 : i32
          %dma_wait3A_48 = arith.constant 0 : i32
          %dma_wait3A_49 = tpu.memref_slice %arg12[%dma_wait3A_47, %dma_wait3A_48] : memref<10000x128xf32, #tpu.memory_space<vmem_shared>> -> memref<520x128xf32, #tpu.memory_space<vmem_shared>>
          tpu.wait_dma2 semaphore(%run_scoped3A : memref<!tpu.dma_semaphore, #tpu.memory_space<semaphore_mem>>) src(%dma_wait3A_49 : memref<520x128xf32, #tpu.memory_space<vmem_shared>>) dst(%dma_wait3A_46 : memref<520x128xf32, #tpu.memory_space<hbm>>)
          tpu.yield
        }) : () -> ()
      } else {
      }
    } else {
    }
    %eq3A_2 = arith.constant 1 : i32
    %eq3A_3 = arith.cmpi eq, %arg0, %eq3A_2 : i32
    %convert_element_type3A_4 = arith.extui %eq3A_3 : i1 to i32
    %cond3A_5 = arith.constant 0 : i32
    %cond3A_6 = arith.cmpi ne, %convert_element_type3A_4, %cond3A_5 : i32
    scf.if %cond3A_6 {
      %lt3A = arith.constant 15 : i32
      %lt3A_7 = arith.cmpi slt, %arg1, %lt3A : i32
      %convert_element_type3A_8 = arith.extui %lt3A_7 : i1 to i32
      %cond3A_9 = arith.constant 0 : i32
      %cond3A_10 = arith.cmpi ne, %convert_element_type3A_8, %cond3A_9 : i32
      scf.if %cond3A_10 {
        %mul3A_39 = arith.constant 632 : i32
        %mul3A_40 = arith.muli %arg1, %mul3A_39 : i32
        %mul3A_41 = arith.constant 632 : i32
        %mul3A_42 = arith.muli %arg1, %mul3A_41 : i32
        "tpu.region"() ({
          %run_scoped3A = tpu.sem_alloc : memref<!tpu.dma_semaphore, #tpu.memory_space<semaphore_mem>>
          %dma_start3A_43 = arith.constant 0 : i32
          %dma_start3A_44 = tpu.memref_slice %arg12[%mul3A_42, %dma_start3A_43] : memref<10000x128xf32, #tpu.memory_space<vmem_shared>> -> memref<632x128xf32, #tpu.memory_space<vmem_shared>>
          %dma_start3A_45 = arith.constant 0 : i32
          %dma_start3A_46 = tpu.memref_slice %arg5[%mul3A_40, %dma_start3A_45] : memref<10000x128xf32, #tpu.memory_space<hbm>> -> memref<632x128xf32, #tpu.memory_space<hbm>>
          tpu.enqueue_dma source(%dma_start3A_46 : memref<632x128xf32, #tpu.memory_space<hbm>>) target(%dma_start3A_44 : memref<632x128xf32, #tpu.memory_space<vmem_shared>>) target_semaphore(%run_scoped3A : memref<!tpu.dma_semaphore, #tpu.memory_space<semaphore_mem>>)
          %dma_wait3A = arith.constant 0 : i32
          %dma_wait3A_47 = tpu.memref_slice %arg12[%mul3A_42, %dma_wait3A] : memref<10000x128xf32, #tpu.memory_space<vmem_shared>> -> memref<632x128xf32, #tpu.memory_space<vmem_shared>>
          %dma_wait3A_48 = arith.constant 0 : i32
          %dma_wait3A_49 = tpu.memref_slice %arg5[%mul3A_40, %dma_wait3A_48] : memref<10000x128xf32, #tpu.memory_space<hbm>> -> memref<632x128xf32, #tpu.memory_space<hbm>>
          tpu.wait_dma2 semaphore(%run_scoped3A : memref<!tpu.dma_semaphore, #tpu.memory_space<semaphore_mem>>) src(%dma_wait3A_49 : memref<632x128xf32, #tpu.memory_space<hbm>>) dst(%dma_wait3A_47 : memref<632x128xf32, #tpu.memory_space<vmem_shared>>)
          tpu.yield
        }) : () -> ()
      } else {
      }
      %eq3A_11 = arith.constant 15 : i32
      %eq3A_12 = arith.cmpi eq, %arg1, %eq3A_11 : i32
      %convert_element_type3A_13 = arith.extui %eq3A_12 : i1 to i32
      %cond3A_14 = arith.constant 0 : i32
      %cond3A_15 = arith.cmpi ne, %convert_element_type3A_13, %cond3A_14 : i32
      scf.if %cond3A_15 {
        "tpu.region"() ({
          %run_scoped3A = tpu.sem_alloc : memref<!tpu.dma_semaphore, #tpu.memory_space<semaphore_mem>>
          %dma_start3A_39 = arith.constant 9480 : i32
          %dma_start3A_40 = arith.constant 0 : i32
          %dma_start3A_41 = tpu.memref_slice %arg12[%dma_start3A_39, %dma_start3A_40] : memref<10000x128xf32, #tpu.memory_space<vmem_shared>> -> memref<520x128xf32, #tpu.memory_space<vmem_shared>>
          %dma_start3A_42 = arith.constant 9480 : i32
          %dma_start3A_43 = arith.constant 0 : i32
          %dma_start3A_44 = tpu.memref_slice %arg5[%dma_start3A_42, %dma_start3A_43] : memref<10000x128xf32, #tpu.memory_space<hbm>> -> memref<520x128xf32, #tpu.memory_space<hbm>>
          tpu.enqueue_dma source(%dma_start3A_44 : memref<520x128xf32, #tpu.memory_space<hbm>>) target(%dma_start3A_41 : memref<520x128xf32, #tpu.memory_space<vmem_shared>>) target_semaphore(%run_scoped3A : memref<!tpu.dma_semaphore, #tpu.memory_space<semaphore_mem>>)
          %dma_wait3A = arith.constant 9480 : i32
          %dma_wait3A_45 = arith.constant 0 : i32
          %dma_wait3A_46 = tpu.memref_slice %arg12[%dma_wait3A, %dma_wait3A_45] : memref<10000x128xf32, #tpu.memory_space<vmem_shared>> -> memref<520x128xf32, #tpu.memory_space<vmem_shared>>
          %dma_wait3A_47 = arith.constant 9480 : i32
          %dma_wait3A_48 = arith.constant 0 : i32
          %dma_wait3A_49 = tpu.memref_slice %arg5[%dma_wait3A_47, %dma_wait3A_48] : memref<10000x128xf32, #tpu.memory_space<hbm>> -> memref<520x128xf32, #tpu.memory_space<hbm>>
          tpu.wait_dma2 semaphore(%run_scoped3A : memref<!tpu.dma_semaphore, #tpu.memory_space<semaphore_mem>>) src(%dma_wait3A_49 : memref<520x128xf32, #tpu.memory_space<hbm>>) dst(%dma_wait3A_46 : memref<520x128xf32, #tpu.memory_space<vmem_shared>>)
          tpu.yield
        }) : () -> ()
      } else {
      }
      %mul3A = arith.constant 10000 : i32
      %mul3A_16 = arith.muli %arg1, %mul3A : i32
      "tpu.region"() ({
        %run_scoped3A = tpu.sem_alloc : memref<!tpu.dma_semaphore, #tpu.memory_space<semaphore_mem>>
        %dma_start3A_39 = tpu.memref_slice %arg2[%mul3A_16] : memref<160000xi32, #tpu.memory_space<hbm>> -> memref<10000xi32, #tpu.memory_space<hbm>>
        %dma_start3A_40 = tpu.memref_slice %arg2[%mul3A_16] : memref<160000xi32, #tpu.memory_space<hbm>> -> memref<10000xi32, #tpu.memory_space<hbm>>
        tpu.enqueue_dma source(%dma_start3A_40 : memref<10000xi32, #tpu.memory_space<hbm>>) target(%arg8 : memref<10000xi32, #tpu.memory_space<vmem>>) target_semaphore(%run_scoped3A : memref<!tpu.dma_semaphore, #tpu.memory_space<semaphore_mem>>)
        %dma_wait3A = tpu.memref_slice %arg2[%mul3A_16] : memref<160000xi32, #tpu.memory_space<hbm>> -> memref<10000xi32, #tpu.memory_space<hbm>>
        %dma_wait3A_41 = tpu.memref_slice %arg2[%mul3A_16] : memref<160000xi32, #tpu.memory_space<hbm>> -> memref<10000xi32, #tpu.memory_space<hbm>>
        tpu.wait_dma2 semaphore(%run_scoped3A : memref<!tpu.dma_semaphore, #tpu.memory_space<semaphore_mem>>) src(%dma_wait3A_41 : memref<10000xi32, #tpu.memory_space<hbm>>) dst(%arg8 : memref<10000xi32, #tpu.memory_space<vmem>>)
        tpu.yield
      }) : () -> ()
      %mul3A_17 = arith.constant 10000 : i32
      %mul3A_18 = arith.muli %arg1, %mul3A_17 : i32
      "tpu.region"() ({
        %run_scoped3A = tpu.sem_alloc : memref<!tpu.dma_semaphore, #tpu.memory_space<semaphore_mem>>
        %dma_start3A_39 = tpu.memref_slice %arg3[%mul3A_18] : memref<160000xi32, #tpu.memory_space<hbm>> -> memref<10000xi32, #tpu.memory_space<hbm>>
        %dma_start3A_40 = tpu.memref_slice %arg3[%mul3A_18] : memref<160000xi32, #tpu.memory_space<hbm>> -> memref<10000xi32, #tpu.memory_space<hbm>>
        tpu.enqueue_dma source(%dma_start3A_40 : memref<10000xi32, #tpu.memory_space<hbm>>) target(%arg9 : memref<10000xi32, #tpu.memory_space<vmem>>) target_semaphore(%run_scoped3A : memref<!tpu.dma_semaphore, #tpu.memory_space<semaphore_mem>>)
        %dma_wait3A = tpu.memref_slice %arg3[%mul3A_18] : memref<160000xi32, #tpu.memory_space<hbm>> -> memref<10000xi32, #tpu.memory_space<hbm>>
        %dma_wait3A_41 = tpu.memref_slice %arg3[%mul3A_18] : memref<160000xi32, #tpu.memory_space<hbm>> -> memref<10000xi32, #tpu.memory_space<hbm>>
        tpu.wait_dma2 semaphore(%run_scoped3A : memref<!tpu.dma_semaphore, #tpu.memory_space<semaphore_mem>>) src(%dma_wait3A_41 : memref<10000xi32, #tpu.memory_space<hbm>>) dst(%arg9 : memref<10000xi32, #tpu.memory_space<vmem>>)
        tpu.yield
      }) : () -> ()
      %barrier3A = arith.constant 0 : index
      tpu.barrier barrier_id(%barrier3A)
      %dma_start3A = arith.constant 0 : i32
      %dma_start3A_19 = tpu.memref_slice %arg8[%dma_start3A] : memref<10000xi32, #tpu.memory_space<vmem>> -> memref<40xi32, #tpu.memory_space<vmem>>
      %dma_start3A_20 = arith.constant 0 : i32
      %dma_start3A_21 = arith.constant 0 : i32
      %dma_start3A_22 = tpu.memref_slice %arg5[%dma_start3A_20, %dma_start3A_21] : memref<10000x128xf32, #tpu.memory_space<hbm>> -> memref<10000x128xf32, #tpu.memory_space<hbm>>
      tpu.enqueue_indirect_dma source(%dma_start3A_22 : memref<10000x128xf32, #tpu.memory_space<hbm>>) target(%arg10 : memref<40x128xf32, #tpu.memory_space<vmem>>) offsets(%dma_start3A_19 : memref<40xi32, #tpu.memory_space<vmem>>) semaphore(%arg13 : memref<!tpu.dma_semaphore, #tpu.memory_space<semaphore_mem>>)
      %scan3A = arith.constant 0 : i32
      %scan3A_23 = arith.constant 0 : i32
      %scan3A_24 = arith.constant 125 : i32
      %scan3A_25 = arith.addi %scan3A_23, %scan3A_24 : i32
      %scan3A_26 = arith.constant 1 : i32
      scf.for %scan3A_39 = %scan3A_23 to %scan3A_25 step %scan3A_26  : i32 {
        %mul3A_40 = arith.constant 2 : i32
        %mul3A_41 = arith.muli %mul3A_40, %scan3A_39 : i32
        %add3A = arith.constant 1 : i32
        %add3A_42 = arith.addi %mul3A_41, %add3A : i32
        %mul3A_43 = arith.constant 40 : i32
        %mul3A_44 = arith.muli %add3A_42, %mul3A_43 : i32
        %dma_start3A_45 = tpu.memref_slice %arg8[%mul3A_44] : memref<10000xi32, #tpu.memory_space<vmem>> -> memref<40xi32, #tpu.memory_space<vmem>>
        %dma_start3A_46 = arith.constant 0 : i32
        %dma_start3A_47 = arith.constant 0 : i32
        %dma_start3A_48 = tpu.memref_slice %arg5[%dma_start3A_46, %dma_start3A_47] : memref<10000x128xf32, #tpu.memory_space<hbm>> -> memref<10000x128xf32, #tpu.memory_space<hbm>>
        tpu.enqueue_indirect_dma source(%dma_start3A_48 : memref<10000x128xf32, #tpu.memory_space<hbm>>) target(%arg11 : memref<40x128xf32, #tpu.memory_space<vmem>>) offsets(%dma_start3A_45 : memref<40xi32, #tpu.memory_space<vmem>>) semaphore(%arg14 : memref<!tpu.dma_semaphore, #tpu.memory_space<semaphore_mem>>)
        %dma_wait3A = arith.constant 0 : i32
        %dma_wait3A_49 = arith.constant 0 : i32
        %dma_wait3A_50 = tpu.memref_slice %arg5[%dma_wait3A, %dma_wait3A_49] : memref<10000x128xf32, #tpu.memory_space<hbm>> -> memref<40x128xf32, #tpu.memory_space<hbm>>
        %dma_wait3A_51 = arith.constant 0 : i32
        %dma_wait3A_52 = arith.constant 0 : i32
        %dma_wait3A_53 = tpu.memref_slice %arg5[%dma_wait3A_51, %dma_wait3A_52] : memref<10000x128xf32, #tpu.memory_space<hbm>> -> memref<40x128xf32, #tpu.memory_space<hbm>>
        tpu.wait_dma2 semaphore(%arg13 : memref<!tpu.dma_semaphore, #tpu.memory_space<semaphore_mem>>) src(%dma_wait3A_53 : memref<40x128xf32, #tpu.memory_space<hbm>>) dst(%arg10 : memref<40x128xf32, #tpu.memory_space<vmem>>)
        %mul3A_54 = arith.constant 2 : i32
        %mul3A_55 = arith.muli %mul3A_54, %scan3A_39 : i32
        %mul3A_56 = arith.constant 40 : i32
        %mul3A_57 = arith.muli %mul3A_55, %mul3A_56 : i32
        "tpu.region"() ({
          %run_scoped3A = tpu.sem_alloc : memref<!tpu.dma_semaphore, #tpu.memory_space<semaphore_mem>>
          %dma_start3A_75 = tpu.memref_slice %arg9[%mul3A_57] : memref<10000xi32, #tpu.memory_space<vmem>> -> memref<40xi32, #tpu.memory_space<vmem>>
          %dma_start3A_76 = arith.constant 0 : i32
          %dma_start3A_77 = arith.constant 0 : i32
          %dma_start3A_78 = tpu.memref_slice %arg12[%dma_start3A_76, %dma_start3A_77] : memref<10000x128xf32, #tpu.memory_space<vmem_shared>> -> memref<10000x128xf32, #tpu.memory_space<vmem_shared>>
          tpu.enqueue_indirect_dma source(%arg10 : memref<40x128xf32, #tpu.memory_space<vmem>>) target(%dma_start3A_78 : memref<10000x128xf32, #tpu.memory_space<vmem_shared>>) offsets(%dma_start3A_75 : memref<40xi32, #tpu.memory_space<vmem>>) semaphore(%run_scoped3A : memref<!tpu.dma_semaphore, #tpu.memory_space<semaphore_mem>>) {add = true}
          %dma_wait3A_79 = tpu.memref_slice %arg9[%mul3A_57] : memref<10000xi32, #tpu.memory_space<vmem>> -> memref<40xi32, #tpu.memory_space<vmem>>
          %dma_wait3A_80 = arith.constant 0 : i32
          %dma_wait3A_81 = arith.constant 0 : i32
          %dma_wait3A_82 = tpu.memref_slice %arg12[%dma_wait3A_80, %dma_wait3A_81] : memref<10000x128xf32, #tpu.memory_space<vmem_shared>> -> memref<10000x128xf32, #tpu.memory_space<vmem_shared>>
          tpu.wait_indirect_dma semaphore(%run_scoped3A : memref<!tpu.dma_semaphore, #tpu.memory_space<semaphore_mem>>) src(%arg10 : memref<40x128xf32, #tpu.memory_space<vmem>>) dst(%dma_wait3A_82 : memref<10000x128xf32, #tpu.memory_space<vmem_shared>>)
          tpu.yield
        }) : () -> ()
        %lt3A_58 = arith.constant 124 : i32
        %lt3A_59 = arith.cmpi slt, %scan3A_39, %lt3A_58 : i32
        %convert_element_type3A_60 = arith.extui %lt3A_59 : i1 to i32
        %cond3A_61 = arith.constant 0 : i32
        %cond3A_62 = arith.cmpi ne, %convert_element_type3A_60, %cond3A_61 : i32
        scf.if %cond3A_62 {
          %mul3A_75 = arith.constant 2 : i32
          %mul3A_76 = arith.muli %mul3A_75, %scan3A_39 : i32
          %add3A_77 = arith.constant 2 : i32
          %add3A_78 = arith.addi %mul3A_76, %add3A_77 : i32
          %mul3A_79 = arith.constant 40 : i32
          %mul3A_80 = arith.muli %add3A_78, %mul3A_79 : i32
          %dma_start3A_81 = tpu.memref_slice %arg8[%mul3A_80] : memref<10000xi32, #tpu.memory_space<vmem>> -> memref<40xi32, #tpu.memory_space<vmem>>
          %dma_start3A_82 = arith.constant 0 : i32
          %dma_start3A_83 = arith.constant 0 : i32
          %dma_start3A_84 = tpu.memref_slice %arg5[%dma_start3A_82, %dma_start3A_83] : memref<10000x128xf32, #tpu.memory_space<hbm>> -> memref<10000x128xf32, #tpu.memory_space<hbm>>
          tpu.enqueue_indirect_dma source(%dma_start3A_84 : memref<10000x128xf32, #tpu.memory_space<hbm>>) target(%arg10 : memref<40x128xf32, #tpu.memory_space<vmem>>) offsets(%dma_start3A_81 : memref<40xi32, #tpu.memory_space<vmem>>) semaphore(%arg13 : memref<!tpu.dma_semaphore, #tpu.memory_space<semaphore_mem>>)
        } else {
        }
        %dma_wait3A_63 = arith.constant 0 : i32
        %dma_wait3A_64 = arith.constant 0 : i32
        %dma_wait3A_65 = tpu.memref_slice %arg5[%dma_wait3A_63, %dma_wait3A_64] : memref<10000x128xf32, #tpu.memory_space<hbm>> -> memref<40x128xf32, #tpu.memory_space<hbm>>
        %dma_wait3A_66 = arith.constant 0 : i32
        %dma_wait3A_67 = arith.constant 0 : i32
        %dma_wait3A_68 = tpu.memref_slice %arg5[%dma_wait3A_66, %dma_wait3A_67] : memref<10000x128xf32, #tpu.memory_space<hbm>> -> memref<40x128xf32, #tpu.memory_space<hbm>>
        tpu.wait_dma2 semaphore(%arg14 : memref<!tpu.dma_semaphore, #tpu.memory_space<semaphore_mem>>) src(%dma_wait3A_68 : memref<40x128xf32, #tpu.memory_space<hbm>>) dst(%arg11 : memref<40x128xf32, #tpu.memory_space<vmem>>)
        %mul3A_69 = arith.constant 2 : i32
        %mul3A_70 = arith.muli %mul3A_69, %scan3A_39 : i32
        %add3A_71 = arith.constant 1 : i32
        %add3A_72 = arith.addi %mul3A_70, %add3A_71 : i32
        %mul3A_73 = arith.constant 40 : i32
        %mul3A_74 = arith.muli %add3A_72, %mul3A_73 : i32
        "tpu.region"() ({
          %run_scoped3A = tpu.sem_alloc : memref<!tpu.dma_semaphore, #tpu.memory_space<semaphore_mem>>
          %dma_start3A_75 = tpu.memref_slice %arg9[%mul3A_74] : memref<10000xi32, #tpu.memory_space<vmem>> -> memref<40xi32, #tpu.memory_space<vmem>>
          %dma_start3A_76 = arith.constant 0 : i32
          %dma_start3A_77 = arith.constant 0 : i32
          %dma_start3A_78 = tpu.memref_slice %arg12[%dma_start3A_76, %dma_start3A_77] : memref<10000x128xf32, #tpu.memory_space<vmem_shared>> -> memref<10000x128xf32, #tpu.memory_space<vmem_shared>>
          tpu.enqueue_indirect_dma source(%arg11 : memref<40x128xf32, #tpu.memory_space<vmem>>) target(%dma_start3A_78 : memref<10000x128xf32, #tpu.memory_space<vmem_shared>>) offsets(%dma_start3A_75 : memref<40xi32, #tpu.memory_space<vmem>>) semaphore(%run_scoped3A : memref<!tpu.dma_semaphore, #tpu.memory_space<semaphore_mem>>) {add = true}
          %dma_wait3A_79 = tpu.memref_slice %arg9[%mul3A_74] : memref<10000xi32, #tpu.memory_space<vmem>> -> memref<40xi32, #tpu.memory_space<vmem>>
          %dma_wait3A_80 = arith.constant 0 : i32
          %dma_wait3A_81 = arith.constant 0 : i32
          %dma_wait3A_82 = tpu.memref_slice %arg12[%dma_wait3A_80, %dma_wait3A_81] : memref<10000x128xf32, #tpu.memory_space<vmem_shared>> -> memref<10000x128xf32, #tpu.memory_space<vmem_shared>>
          tpu.wait_indirect_dma semaphore(%run_scoped3A : memref<!tpu.dma_semaphore, #tpu.memory_space<semaphore_mem>>) src(%arg11 : memref<40x128xf32, #tpu.memory_space<vmem>>) dst(%dma_wait3A_82 : memref<10000x128xf32, #tpu.memory_space<vmem_shared>>)
          tpu.yield
        }) : () -> ()
      }
      %scan3A_27 = arith.constant 125 : i32
      %barrier3A_28 = arith.constant 0 : index
      tpu.barrier barrier_id(%barrier3A_28)
      %lt3A_29 = arith.constant 15 : i32
      %lt3A_30 = arith.cmpi slt, %arg1, %lt3A_29 : i32
      %convert_element_type3A_31 = arith.extui %lt3A_30 : i1 to i32
      %cond3A_32 = arith.constant 0 : i32
      %cond3A_33 = arith.cmpi ne, %convert_element_type3A_31, %cond3A_32 : i32
      scf.if %cond3A_33 {
        %mul3A_39 = arith.constant 632 : i32
        %mul3A_40 = arith.muli %arg1, %mul3A_39 : i32
        %mul3A_41 = arith.constant 632 : i32
        %mul3A_42 = arith.muli %arg1, %mul3A_41 : i32
        "tpu.region"() ({
          %run_scoped3A = tpu.sem_alloc : memref<!tpu.dma_semaphore, #tpu.memory_space<semaphore_mem>>
          %dma_start3A_43 = arith.constant 0 : i32
          %dma_start3A_44 = tpu.memref_slice %arg7[%mul3A_42, %dma_start3A_43] : memref<10000x128xf32, #tpu.memory_space<hbm>> -> memref<632x128xf32, #tpu.memory_space<hbm>>
          %dma_start3A_45 = arith.constant 0 : i32
          %dma_start3A_46 = tpu.memref_slice %arg12[%mul3A_40, %dma_start3A_45] : memref<10000x128xf32, #tpu.memory_space<vmem_shared>> -> memref<632x128xf32, #tpu.memory_space<vmem_shared>>
          tpu.enqueue_dma source(%dma_start3A_46 : memref<632x128xf32, #tpu.memory_space<vmem_shared>>) target(%dma_start3A_44 : memref<632x128xf32, #tpu.memory_space<hbm>>) target_semaphore(%run_scoped3A : memref<!tpu.dma_semaphore, #tpu.memory_space<semaphore_mem>>)
          %dma_wait3A = arith.constant 0 : i32
          %dma_wait3A_47 = tpu.memref_slice %arg7[%mul3A_42, %dma_wait3A] : memref<10000x128xf32, #tpu.memory_space<hbm>> -> memref<632x128xf32, #tpu.memory_space<hbm>>
          %dma_wait3A_48 = arith.constant 0 : i32
          %dma_wait3A_49 = tpu.memref_slice %arg12[%mul3A_40, %dma_wait3A_48] : memref<10000x128xf32, #tpu.memory_space<vmem_shared>> -> memref<632x128xf32, #tpu.memory_space<vmem_shared>>
          tpu.wait_dma2 semaphore(%run_scoped3A : memref<!tpu.dma_semaphore, #tpu.memory_space<semaphore_mem>>) src(%dma_wait3A_49 : memref<632x128xf32, #tpu.memory_space<vmem_shared>>) dst(%dma_wait3A_47 : memref<632x128xf32, #tpu.memory_space<hbm>>)
          tpu.yield
        }) : () -> ()
      } else {
      }
      %eq3A_34 = arith.constant 15 : i32
      %eq3A_35 = arith.cmpi eq, %arg1, %eq3A_34 : i32
      %convert_element_type3A_36 = arith.extui %eq3A_35 : i1 to i32
      %cond3A_37 = arith.constant 0 : i32
      %cond3A_38 = arith.cmpi ne, %convert_element_type3A_36, %cond3A_37 : i32
      scf.if %cond3A_38 {
        "tpu.region"() ({
          %run_scoped3A = tpu.sem_alloc : memref<!tpu.dma_semaphore, #tpu.memory_space<semaphore_mem>>
          %dma_start3A_39 = arith.constant 9480 : i32
          %dma_start3A_40 = arith.constant 0 : i32
          %dma_start3A_41 = tpu.memref_slice %arg7[%dma_start3A_39, %dma_start3A_40] : memref<10000x128xf32, #tpu.memory_space<hbm>> -> memref<520x128xf32, #tpu.memory_space<hbm>>
          %dma_start3A_42 = arith.constant 9480 : i32
          %dma_start3A_43 = arith.constant 0 : i32
          %dma_start3A_44 = tpu.memref_slice %arg12[%dma_start3A_42, %dma_start3A_43] : memref<10000x128xf32, #tpu.memory_space<vmem_shared>> -> memref<520x128xf32, #tpu.memory_space<vmem_shared>>
          tpu.enqueue_dma source(%dma_start3A_44 : memref<520x128xf32, #tpu.memory_space<vmem_shared>>) target(%dma_start3A_41 : memref<520x128xf32, #tpu.memory_space<hbm>>) target_semaphore(%run_scoped3A : memref<!tpu.dma_semaphore, #tpu.memory_space<semaphore_mem>>)
          %dma_wait3A = arith.constant 9480 : i32
          %dma_wait3A_45 = arith.constant 0 : i32
          %dma_wait3A_46 = tpu.memref_slice %arg7[%dma_wait3A, %dma_wait3A_45] : memref<10000x128xf32, #tpu.memory_space<hbm>> -> memref<520x128xf32, #tpu.memory_space<hbm>>
          %dma_wait3A_47 = arith.constant 9480 : i32
          %dma_wait3A_48 = arith.constant 0 : i32
          %dma_wait3A_49 = tpu.memref_slice %arg12[%dma_wait3A_47, %dma_wait3A_48] : memref<10000x128xf32, #tpu.memory_space<vmem_shared>> -> memref<520x128xf32, #tpu.memory_space<vmem_shared>>
          tpu.wait_dma2 semaphore(%run_scoped3A : memref<!tpu.dma_semaphore, #tpu.memory_space<semaphore_mem>>) src(%dma_wait3A_49 : memref<520x128xf32, #tpu.memory_space<vmem_shared>>) dst(%dma_wait3A_46 : memref<520x128xf32, #tpu.memory_space<hbm>>)
          tpu.yield
        }) : () -> ()
      } else {
      }
    } else {
    }
    return
  }
}

#map = affine_map<(d0, d1) -> (0)>
module attributes {stable_mosaic.version = 14 : i64} {
  func.func @_deg_kernel(%arg0: i32, %arg1: i32, %arg2: memref<160000xi32, #tpu.memory_space<hbm>>, %arg3: memref<10240xf32, #tpu.memory_space<hbm>>, %arg4: memref<10240xf32, #tpu.memory_space<hbm>>, %arg5: memref<5000xi32, #tpu.memory_space<vmem>>, %arg6: memref<40xf32, #tpu.memory_space<vmem>>, %arg7: memref<640xf32, #tpu.memory_space<vmem>>, %arg8: memref<10240xf32, #tpu.memory_space<vmem_shared>>) attributes {dimension_semantics = [#tpu.dimension_semantics<core_parallel>, #tpu.dimension_semantics<subcore_parallel>], iteration_bounds = array<i64: 2, 16>, scalar_prefetch = 0 : i64, scratch_operands = 4 : i64, tpu.core_type = #tpu.core_type<sc_vector_subcore>, window_params = [{transform_indices = #map}, {transform_indices = #map}, {transform_indices = #map}]} {
    %broadcast_in_dim3A = arith.constant 1.000000e+00 : f32
    %broadcast_in_dim3A_0 = vector.broadcast %broadcast_in_dim3A : f32 to vector<16xf32>
    %swap3A = arith.constant 0 : index
    %swap3A_1 = tpu.vector_load %arg6[%swap3A] {strides = array<i32>} : memref<40xf32, #tpu.memory_space<vmem>>, vector<16xf32>,
    %swap3A_2 = vector.shape_cast %swap3A_1 : vector<16xf32> to vector<16xf32>
    %swap3A_3 = vector.shape_cast %broadcast_in_dim3A_0 : vector<16xf32> to vector<16xf32>
    tpu.vector_store %arg6[%swap3A], %swap3A_3 {strides = array<i32>} : memref<40xf32, #tpu.memory_space<vmem>>, vector<16xf32>,
    %swap3A_4 = arith.constant 16 : index
    %swap3A_5 = tpu.vector_load %arg6[%swap3A_4] {strides = array<i32>} : memref<40xf32, #tpu.memory_space<vmem>>, vector<16xf32>,
    %swap3A_6 = vector.shape_cast %swap3A_5 : vector<16xf32> to vector<16xf32>
    %swap3A_7 = vector.shape_cast %broadcast_in_dim3A_0 : vector<16xf32> to vector<16xf32>
    tpu.vector_store %arg6[%swap3A_4], %swap3A_7 {strides = array<i32>} : memref<40xf32, #tpu.memory_space<vmem>>, vector<16xf32>,
    %swap3A_8 = arith.constant 24 : index
    %swap3A_9 = tpu.vector_load %arg6[%swap3A_8] {strides = array<i32>} : memref<40xf32, #tpu.memory_space<vmem>>, vector<16xf32>,
    %swap3A_10 = vector.shape_cast %swap3A_9 : vector<16xf32> to vector<16xf32>
    %swap3A_11 = vector.shape_cast %broadcast_in_dim3A_0 : vector<16xf32> to vector<16xf32>
    tpu.vector_store %arg6[%swap3A_8], %swap3A_11 {strides = array<i32>} : memref<40xf32, #tpu.memory_space<vmem>>, vector<16xf32>,
    %broadcast_in_dim3A_12 = arith.constant 0.000000e+00 : f32
    %broadcast_in_dim3A_13 = vector.broadcast %broadcast_in_dim3A_12 : f32 to vector<16xf32>
    %scan3A = arith.constant 0 : i32
    %scan3A_14 = arith.constant 0 : i32
    %scan3A_15 = arith.constant 40 : i32
    %scan3A_16 = arith.addi %scan3A_14, %scan3A_15 : i32
    %scan3A_17 = arith.constant 1 : i32
    scf.for %scan3A_38 = %scan3A_14 to %scan3A_16 step %scan3A_17  : i32 {
      %mul3A_39 = arith.constant 16 : i32
      %mul3A_40 = arith.muli %scan3A_38, %mul3A_39 : i32
      %swap3A_41 = arith.index_cast %mul3A_40 : i32 to index
      %swap3A_42 = tpu.vector_load %arg7[%swap3A_41] {strides = array<i32>} : memref<640xf32, #tpu.memory_space<vmem>>, vector<16xf32>,
      %swap3A_43 = vector.shape_cast %swap3A_42 : vector<16xf32> to vector<16xf32>
      %swap3A_44 = vector.shape_cast %broadcast_in_dim3A_13 : vector<16xf32> to vector<16xf32>
      tpu.vector_store %arg7[%swap3A_41], %swap3A_44 {strides = array<i32>} : memref<640xf32, #tpu.memory_space<vmem>>, vector<16xf32>,
    }
    %scan3A_18 = arith.constant 40 : i32
    %mul3A = arith.constant 640 : i32
    %mul3A_19 = arith.muli %arg1, %mul3A : i32
    "tpu.region"() ({
      %run_scoped3A = tpu.sem_alloc : memref<!tpu.dma_semaphore, #tpu.memory_space<semaphore_mem>>
      %dma_start3A = tpu.memref_slice %arg8[%mul3A_19] : memref<10240xf32, #tpu.memory_space<vmem_shared>> -> memref<640xf32, #tpu.memory_space<vmem_shared>>
      %dma_start3A_38 = tpu.memref_slice %arg8[%mul3A_19] : memref<10240xf32, #tpu.memory_space<vmem_shared>> -> memref<640xf32, #tpu.memory_space<vmem_shared>>
      tpu.enqueue_dma source(%arg7 : memref<640xf32, #tpu.memory_space<vmem>>) target(%dma_start3A_38 : memref<640xf32, #tpu.memory_space<vmem_shared>>) target_semaphore(%run_scoped3A : memref<!tpu.dma_semaphore, #tpu.memory_space<semaphore_mem>>)
      %dma_wait3A = tpu.memref_slice %arg8[%mul3A_19] : memref<10240xf32, #tpu.memory_space<vmem_shared>> -> memref<640xf32, #tpu.memory_space<vmem_shared>>
      %dma_wait3A_39 = tpu.memref_slice %arg8[%mul3A_19] : memref<10240xf32, #tpu.memory_space<vmem_shared>> -> memref<640xf32, #tpu.memory_space<vmem_shared>>
      tpu.wait_dma2 semaphore(%run_scoped3A : memref<!tpu.dma_semaphore, #tpu.memory_space<semaphore_mem>>) src(%arg7 : memref<640xf32, #tpu.memory_space<vmem>>) dst(%dma_wait3A_39 : memref<640xf32, #tpu.memory_space<vmem_shared>>)
      tpu.yield
    }) : () -> ()
    %barrier3A = arith.constant 0 : index
    tpu.barrier barrier_id(%barrier3A)
    %mul3A_20 = arith.constant 80000 : i32
    %mul3A_21 = arith.muli %arg0, %mul3A_20 : i32
    %mul3A_22 = arith.constant 5000 : i32
    %mul3A_23 = arith.muli %arg1, %mul3A_22 : i32
    %add3A = arith.addi %mul3A_21, %mul3A_23 : i32
    "tpu.region"() ({
      %run_scoped3A = tpu.sem_alloc : memref<!tpu.dma_semaphore, #tpu.memory_space<semaphore_mem>>
      %dma_start3A = tpu.memref_slice %arg2[%add3A] : memref<160000xi32, #tpu.memory_space<hbm>> -> memref<5000xi32, #tpu.memory_space<hbm>>
      %dma_start3A_38 = tpu.memref_slice %arg2[%add3A] : memref<160000xi32, #tpu.memory_space<hbm>> -> memref<5000xi32, #tpu.memory_space<hbm>>
      tpu.enqueue_dma source(%dma_start3A_38 : memref<5000xi32, #tpu.memory_space<hbm>>) target(%arg5 : memref<5000xi32, #tpu.memory_space<vmem>>) target_semaphore(%run_scoped3A : memref<!tpu.dma_semaphore, #tpu.memory_space<semaphore_mem>>)
      %dma_wait3A = tpu.memref_slice %arg2[%add3A] : memref<160000xi32, #tpu.memory_space<hbm>> -> memref<5000xi32, #tpu.memory_space<hbm>>
      %dma_wait3A_39 = tpu.memref_slice %arg2[%add3A] : memref<160000xi32, #tpu.memory_space<hbm>> -> memref<5000xi32, #tpu.memory_space<hbm>>
      tpu.wait_dma2 semaphore(%run_scoped3A : memref<!tpu.dma_semaphore, #tpu.memory_space<semaphore_mem>>) src(%dma_wait3A_39 : memref<5000xi32, #tpu.memory_space<hbm>>) dst(%arg5 : memref<5000xi32, #tpu.memory_space<vmem>>)
      tpu.yield
    }) : () -> ()
    %scan3A_24 = arith.constant 0 : i32
    %scan3A_25 = arith.constant 0 : i32
    %scan3A_26 = arith.constant 125 : i32
    %scan3A_27 = arith.addi %scan3A_25, %scan3A_26 : i32
    %scan3A_28 = arith.constant 1 : i32
    scf.for %scan3A_38 = %scan3A_25 to %scan3A_27 step %scan3A_28  : i32 {
      %mul3A_39 = arith.constant 40 : i32
      %mul3A_40 = arith.muli %scan3A_38, %mul3A_39 : i32
      "tpu.region"() ({
        %run_scoped3A = tpu.sem_alloc : memref<!tpu.dma_semaphore, #tpu.memory_space<semaphore_mem>>
        %dma_start3A = tpu.memref_slice %arg5[%mul3A_40] : memref<5000xi32, #tpu.memory_space<vmem>> -> memref<40xi32, #tpu.memory_space<vmem>>
        %dma_start3A_41 = arith.constant 0 : i32
        %dma_start3A_42 = tpu.memref_slice %arg8[%dma_start3A_41] : memref<10240xf32, #tpu.memory_space<vmem_shared>> -> memref<10240xf32, #tpu.memory_space<vmem_shared>>
        tpu.enqueue_indirect_dma source(%arg6 : memref<40xf32, #tpu.memory_space<vmem>>) target(%dma_start3A_42 : memref<10240xf32, #tpu.memory_space<vmem_shared>>) offsets(%dma_start3A : memref<40xi32, #tpu.memory_space<vmem>>) semaphore(%run_scoped3A : memref<!tpu.dma_semaphore, #tpu.memory_space<semaphore_mem>>) {add = true}
        %dma_wait3A = tpu.memref_slice %arg5[%mul3A_40] : memref<5000xi32, #tpu.memory_space<vmem>> -> memref<40xi32, #tpu.memory_space<vmem>>
        %dma_wait3A_43 = arith.constant 0 : i32
        %dma_wait3A_44 = tpu.memref_slice %arg8[%dma_wait3A_43] : memref<10240xf32, #tpu.memory_space<vmem_shared>> -> memref<10240xf32, #tpu.memory_space<vmem_shared>>
        tpu.wait_indirect_dma semaphore(%run_scoped3A : memref<!tpu.dma_semaphore, #tpu.memory_space<semaphore_mem>>) src(%arg6 : memref<40xf32, #tpu.memory_space<vmem>>) dst(%dma_wait3A_44 : memref<10240xf32, #tpu.memory_space<vmem_shared>>)
        tpu.yield
      }) : () -> ()
    }
    %scan3A_29 = arith.constant 125 : i32
    %barrier3A_30 = arith.constant 0 : index
    tpu.barrier barrier_id(%barrier3A_30)
    %eq3A = arith.constant 0 : i32
    %eq3A_31 = arith.cmpi eq, %arg0, %eq3A : i32
    %convert_element_type3A = arith.extui %eq3A_31 : i1 to i32
    %cond3A = arith.constant 0 : i32
    %cond3A_32 = arith.cmpi ne, %convert_element_type3A, %cond3A : i32
    scf.if %cond3A_32 {
      %mul3A_38 = arith.constant 640 : i32
      %mul3A_39 = arith.muli %arg1, %mul3A_38 : i32
      %mul3A_40 = arith.constant 640 : i32
      %mul3A_41 = arith.muli %arg1, %mul3A_40 : i32
      "tpu.region"() ({
        %run_scoped3A = tpu.sem_alloc : memref<!tpu.dma_semaphore, #tpu.memory_space<semaphore_mem>>
        %dma_start3A = tpu.memref_slice %arg3[%mul3A_41] : memref<10240xf32, #tpu.memory_space<hbm>> -> memref<640xf32, #tpu.memory_space<hbm>>
        %dma_start3A_42 = tpu.memref_slice %arg8[%mul3A_39] : memref<10240xf32, #tpu.memory_space<vmem_shared>> -> memref<640xf32, #tpu.memory_space<vmem_shared>>
        tpu.enqueue_dma source(%dma_start3A_42 : memref<640xf32, #tpu.memory_space<vmem_shared>>) target(%dma_start3A : memref<640xf32, #tpu.memory_space<hbm>>) target_semaphore(%run_scoped3A : memref<!tpu.dma_semaphore, #tpu.memory_space<semaphore_mem>>)
        %dma_wait3A = tpu.memref_slice %arg3[%mul3A_41] : memref<10240xf32, #tpu.memory_space<hbm>> -> memref<640xf32, #tpu.memory_space<hbm>>
        %dma_wait3A_43 = tpu.memref_slice %arg8[%mul3A_39] : memref<10240xf32, #tpu.memory_space<vmem_shared>> -> memref<640xf32, #tpu.memory_space<vmem_shared>>
        tpu.wait_dma2 semaphore(%run_scoped3A : memref<!tpu.dma_semaphore, #tpu.memory_space<semaphore_mem>>) src(%dma_wait3A_43 : memref<640xf32, #tpu.memory_space<vmem_shared>>) dst(%dma_wait3A : memref<640xf32, #tpu.memory_space<hbm>>)
        tpu.yield
      }) : () -> ()
    } else {
    }
    %eq3A_33 = arith.constant 1 : i32
    %eq3A_34 = arith.cmpi eq, %arg0, %eq3A_33 : i32
    %convert_element_type3A_35 = arith.extui %eq3A_34 : i1 to i32
    %cond3A_36 = arith.constant 0 : i32
    %cond3A_37 = arith.cmpi ne, %convert_element_type3A_35, %cond3A_36 : i32
    scf.if %cond3A_37 {
      %mul3A_38 = arith.constant 640 : i32
      %mul3A_39 = arith.muli %arg1, %mul3A_38 : i32
      %mul3A_40 = arith.constant 640 : i32
      %mul3A_41 = arith.muli %arg1, %mul3A_40 : i32
      "tpu.region"() ({
        %run_scoped3A = tpu.sem_alloc : memref<!tpu.dma_semaphore, #tpu.memory_space<semaphore_mem>>
        %dma_start3A = tpu.memref_slice %arg4[%mul3A_41] : memref<10240xf32, #tpu.memory_space<hbm>> -> memref<640xf32, #tpu.memory_space<hbm>>
        %dma_start3A_42 = tpu.memref_slice %arg8[%mul3A_39] : memref<10240xf32, #tpu.memory_space<vmem_shared>> -> memref<640xf32, #tpu.memory_space<vmem_shared>>
        tpu.enqueue_dma source(%dma_start3A_42 : memref<640xf32, #tpu.memory_space<vmem_shared>>) target(%dma_start3A : memref<640xf32, #tpu.memory_space<hbm>>) target_semaphore(%run_scoped3A : memref<!tpu.dma_semaphore, #tpu.memory_space<semaphore_mem>>)
        %dma_wait3A = tpu.memref_slice %arg4[%mul3A_41] : memref<10240xf32, #tpu.memory_space<hbm>> -> memref<640xf32, #tpu.memory_space<hbm>>
        %dma_wait3A_43 = tpu.memref_slice %arg8[%mul3A_39] : memref<10240xf32, #tpu.memory_space<vmem_shared>> -> memref<640xf32, #tpu.memory_space<vmem_shared>>
        tpu.wait_dma2 semaphore(%run_scoped3A : memref<!tpu.dma_semaphore, #tpu.memory_space<semaphore_mem>>) src(%dma_wait3A_43 : memref<640xf32, #tpu.memory_space<vmem_shared>>) dst(%dma_wait3A : memref<640xf32, #tpu.memory_space<hbm>>)
        tpu.yield
      }) : () -> ()
    } else {
    }
    return
  }
}

#map = affine_map<(d0, d1) -> (0)>
#map1 = affine_map<(d0, d1) -> (0, 0)>
module attributes {stable_mosaic.version = 14 : i64} {
  func.func @_agg_kernel(%arg0: i32, %arg1: i32, %arg2: memref<160000xi32, #tpu.memory_space<hbm>>, %arg3: memref<160000xi32, #tpu.memory_space<hbm>>, %arg4: memref<10000x128xf32, #tpu.memory_space<hbm>>, %arg5: memref<10000x128xf32, #tpu.memory_space<hbm>>, %arg6: memref<10000x128xf32, #tpu.memory_space<hbm>>, %arg7: memref<10000x128xf32, #tpu.memory_space<hbm>>, %arg8: memref<10000xi32, #tpu.memory_space<vmem>>, %arg9: memref<10000xi32, #tpu.memory_space<vmem>>, %arg10: memref<40x128xf32, #tpu.memory_space<vmem>>, %arg11: memref<40x128xf32, #tpu.memory_space<vmem>>, %arg12: memref<10000x128xf32, #tpu.memory_space<vmem_shared>>, %arg13: memref<!tpu.dma_semaphore, #tpu.memory_space<semaphore_mem>>, %arg14: memref<!tpu.dma_semaphore, #tpu.memory_space<semaphore_mem>>) attributes {dimension_semantics = [#tpu.dimension_semantics<core_parallel>, #tpu.dimension_semantics<subcore_parallel>], iteration_bounds = array<i64: 2, 16>, scalar_prefetch = 0 : i64, scratch_operands = 7 : i64, tpu.core_type = #tpu.core_type<sc_vector_subcore>, window_params = [{transform_indices = #map}, {transform_indices = #map}, {transform_indices = #map1}, {transform_indices = #map1}, {transform_indices = #map1}, {transform_indices = #map1}]} {
    %eq3A = arith.constant 0 : i32
    %eq3A_0 = arith.cmpi eq, %arg0, %eq3A : i32
    %convert_element_type3A = arith.extui %eq3A_0 : i1 to i32
    %cond3A = arith.constant 0 : i32
    %cond3A_1 = arith.cmpi ne, %convert_element_type3A, %cond3A : i32
    scf.if %cond3A_1 {
      %lt3A = arith.constant 15 : i32
      %lt3A_7 = arith.cmpi slt, %arg1, %lt3A : i32
      %convert_element_type3A_8 = arith.extui %lt3A_7 : i1 to i32
      %cond3A_9 = arith.constant 0 : i32
      %cond3A_10 = arith.cmpi ne, %convert_element_type3A_8, %cond3A_9 : i32
      scf.if %cond3A_10 {
        %mul3A_39 = arith.constant 632 : i32
        %mul3A_40 = arith.muli %arg1, %mul3A_39 : i32
        %mul3A_41 = arith.constant 632 : i32
        %mul3A_42 = arith.muli %arg1, %mul3A_41 : i32
        "tpu.region"() ({
          %run_scoped3A = tpu.sem_alloc : memref<!tpu.dma_semaphore, #tpu.memory_space<semaphore_mem>>
          %dma_start3A_43 = arith.constant 0 : i32
          %dma_start3A_44 = tpu.memref_slice %arg12[%mul3A_42, %dma_start3A_43] : memref<10000x128xf32, #tpu.memory_space<vmem_shared>> -> memref<632x128xf32, #tpu.memory_space<vmem_shared>>
          %dma_start3A_45 = arith.constant 0 : i32
          %dma_start3A_46 = tpu.memref_slice %arg4[%mul3A_40, %dma_start3A_45] : memref<10000x128xf32, #tpu.memory_space<hbm>> -> memref<632x128xf32, #tpu.memory_space<hbm>>
          tpu.enqueue_dma source(%dma_start3A_46 : memref<632x128xf32, #tpu.memory_space<hbm>>) target(%dma_start3A_44 : memref<632x128xf32, #tpu.memory_space<vmem_shared>>) target_semaphore(%run_scoped3A : memref<!tpu.dma_semaphore, #tpu.memory_space<semaphore_mem>>)
          %dma_wait3A = arith.constant 0 : i32
          %dma_wait3A_47 = tpu.memref_slice %arg12[%mul3A_42, %dma_wait3A] : memref<10000x128xf32, #tpu.memory_space<vmem_shared>> -> memref<632x128xf32, #tpu.memory_space<vmem_shared>>
          %dma_wait3A_48 = arith.constant 0 : i32
          %dma_wait3A_49 = tpu.memref_slice %arg4[%mul3A_40, %dma_wait3A_48] : memref<10000x128xf32, #tpu.memory_space<hbm>> -> memref<632x128xf32, #tpu.memory_space<hbm>>
          tpu.wait_dma2 semaphore(%run_scoped3A : memref<!tpu.dma_semaphore, #tpu.memory_space<semaphore_mem>>) src(%dma_wait3A_49 : memref<632x128xf32, #tpu.memory_space<hbm>>) dst(%dma_wait3A_47 : memref<632x128xf32, #tpu.memory_space<vmem_shared>>)
          tpu.yield
        }) : () -> ()
      } else {
      }
      %eq3A_11 = arith.constant 15 : i32
      %eq3A_12 = arith.cmpi eq, %arg1, %eq3A_11 : i32
      %convert_element_type3A_13 = arith.extui %eq3A_12 : i1 to i32
      %cond3A_14 = arith.constant 0 : i32
      %cond3A_15 = arith.cmpi ne, %convert_element_type3A_13, %cond3A_14 : i32
      scf.if %cond3A_15 {
        "tpu.region"() ({
          %run_scoped3A = tpu.sem_alloc : memref<!tpu.dma_semaphore, #tpu.memory_space<semaphore_mem>>
          %dma_start3A_39 = arith.constant 9480 : i32
          %dma_start3A_40 = arith.constant 0 : i32
          %dma_start3A_41 = tpu.memref_slice %arg12[%dma_start3A_39, %dma_start3A_40] : memref<10000x128xf32, #tpu.memory_space<vmem_shared>> -> memref<520x128xf32, #tpu.memory_space<vmem_shared>>
          %dma_start3A_42 = arith.constant 9480 : i32
          %dma_start3A_43 = arith.constant 0 : i32
          %dma_start3A_44 = tpu.memref_slice %arg4[%dma_start3A_42, %dma_start3A_43] : memref<10000x128xf32, #tpu.memory_space<hbm>> -> memref<520x128xf32, #tpu.memory_space<hbm>>
          tpu.enqueue_dma source(%dma_start3A_44 : memref<520x128xf32, #tpu.memory_space<hbm>>) target(%dma_start3A_41 : memref<520x128xf32, #tpu.memory_space<vmem_shared>>) target_semaphore(%run_scoped3A : memref<!tpu.dma_semaphore, #tpu.memory_space<semaphore_mem>>)
          %dma_wait3A = arith.constant 9480 : i32
          %dma_wait3A_45 = arith.constant 0 : i32
          %dma_wait3A_46 = tpu.memref_slice %arg12[%dma_wait3A, %dma_wait3A_45] : memref<10000x128xf32, #tpu.memory_space<vmem_shared>> -> memref<520x128xf32, #tpu.memory_space<vmem_shared>>
          %dma_wait3A_47 = arith.constant 9480 : i32
          %dma_wait3A_48 = arith.constant 0 : i32
          %dma_wait3A_49 = tpu.memref_slice %arg4[%dma_wait3A_47, %dma_wait3A_48] : memref<10000x128xf32, #tpu.memory_space<hbm>> -> memref<520x128xf32, #tpu.memory_space<hbm>>
          tpu.wait_dma2 semaphore(%run_scoped3A : memref<!tpu.dma_semaphore, #tpu.memory_space<semaphore_mem>>) src(%dma_wait3A_49 : memref<520x128xf32, #tpu.memory_space<hbm>>) dst(%dma_wait3A_46 : memref<520x128xf32, #tpu.memory_space<vmem_shared>>)
          tpu.yield
        }) : () -> ()
      } else {
      }
      %mul3A = arith.constant 10000 : i32
      %mul3A_16 = arith.muli %arg1, %mul3A : i32
      "tpu.region"() ({
        %run_scoped3A = tpu.sem_alloc : memref<!tpu.dma_semaphore, #tpu.memory_space<semaphore_mem>>
        %dma_start3A_39 = tpu.memref_slice %arg2[%mul3A_16] : memref<160000xi32, #tpu.memory_space<hbm>> -> memref<10000xi32, #tpu.memory_space<hbm>>
        %dma_start3A_40 = tpu.memref_slice %arg2[%mul3A_16] : memref<160000xi32, #tpu.memory_space<hbm>> -> memref<10000xi32, #tpu.memory_space<hbm>>
        tpu.enqueue_dma source(%dma_start3A_40 : memref<10000xi32, #tpu.memory_space<hbm>>) target(%arg8 : memref<10000xi32, #tpu.memory_space<vmem>>) target_semaphore(%run_scoped3A : memref<!tpu.dma_semaphore, #tpu.memory_space<semaphore_mem>>)
        %dma_wait3A = tpu.memref_slice %arg2[%mul3A_16] : memref<160000xi32, #tpu.memory_space<hbm>> -> memref<10000xi32, #tpu.memory_space<hbm>>
        %dma_wait3A_41 = tpu.memref_slice %arg2[%mul3A_16] : memref<160000xi32, #tpu.memory_space<hbm>> -> memref<10000xi32, #tpu.memory_space<hbm>>
        tpu.wait_dma2 semaphore(%run_scoped3A : memref<!tpu.dma_semaphore, #tpu.memory_space<semaphore_mem>>) src(%dma_wait3A_41 : memref<10000xi32, #tpu.memory_space<hbm>>) dst(%arg8 : memref<10000xi32, #tpu.memory_space<vmem>>)
        tpu.yield
      }) : () -> ()
      %mul3A_17 = arith.constant 10000 : i32
      %mul3A_18 = arith.muli %arg1, %mul3A_17 : i32
      "tpu.region"() ({
        %run_scoped3A = tpu.sem_alloc : memref<!tpu.dma_semaphore, #tpu.memory_space<semaphore_mem>>
        %dma_start3A_39 = tpu.memref_slice %arg3[%mul3A_18] : memref<160000xi32, #tpu.memory_space<hbm>> -> memref<10000xi32, #tpu.memory_space<hbm>>
        %dma_start3A_40 = tpu.memref_slice %arg3[%mul3A_18] : memref<160000xi32, #tpu.memory_space<hbm>> -> memref<10000xi32, #tpu.memory_space<hbm>>
        tpu.enqueue_dma source(%dma_start3A_40 : memref<10000xi32, #tpu.memory_space<hbm>>) target(%arg9 : memref<10000xi32, #tpu.memory_space<vmem>>) target_semaphore(%run_scoped3A : memref<!tpu.dma_semaphore, #tpu.memory_space<semaphore_mem>>)
        %dma_wait3A = tpu.memref_slice %arg3[%mul3A_18] : memref<160000xi32, #tpu.memory_space<hbm>> -> memref<10000xi32, #tpu.memory_space<hbm>>
        %dma_wait3A_41 = tpu.memref_slice %arg3[%mul3A_18] : memref<160000xi32, #tpu.memory_space<hbm>> -> memref<10000xi32, #tpu.memory_space<hbm>>
        tpu.wait_dma2 semaphore(%run_scoped3A : memref<!tpu.dma_semaphore, #tpu.memory_space<semaphore_mem>>) src(%dma_wait3A_41 : memref<10000xi32, #tpu.memory_space<hbm>>) dst(%arg9 : memref<10000xi32, #tpu.memory_space<vmem>>)
        tpu.yield
      }) : () -> ()
      %barrier3A = arith.constant 0 : index
      tpu.barrier barrier_id(%barrier3A)
      %dma_start3A = arith.constant 0 : i32
      %dma_start3A_19 = tpu.memref_slice %arg8[%dma_start3A] : memref<10000xi32, #tpu.memory_space<vmem>> -> memref<40xi32, #tpu.memory_space<vmem>>
      %dma_start3A_20 = arith.constant 0 : i32
      %dma_start3A_21 = arith.constant 0 : i32
      %dma_start3A_22 = tpu.memref_slice %arg4[%dma_start3A_20, %dma_start3A_21] : memref<10000x128xf32, #tpu.memory_space<hbm>> -> memref<10000x128xf32, #tpu.memory_space<hbm>>
      tpu.enqueue_indirect_dma source(%dma_start3A_22 : memref<10000x128xf32, #tpu.memory_space<hbm>>) target(%arg10 : memref<40x128xf32, #tpu.memory_space<vmem>>) offsets(%dma_start3A_19 : memref<40xi32, #tpu.memory_space<vmem>>) semaphore(%arg13 : memref<!tpu.dma_semaphore, #tpu.memory_space<semaphore_mem>>)
      %scan3A = arith.constant 0 : i32
      %scan3A_23 = arith.constant 0 : i32
      %scan3A_24 = arith.constant 125 : i32
      %scan3A_25 = arith.addi %scan3A_23, %scan3A_24 : i32
      %scan3A_26 = arith.constant 1 : i32
      scf.for %scan3A_39 = %scan3A_23 to %scan3A_25 step %scan3A_26  : i32 {
        %mul3A_40 = arith.constant 2 : i32
        %mul3A_41 = arith.muli %mul3A_40, %scan3A_39 : i32
        %add3A = arith.constant 1 : i32
        %add3A_42 = arith.addi %mul3A_41, %add3A : i32
        %mul3A_43 = arith.constant 40 : i32
        %mul3A_44 = arith.muli %add3A_42, %mul3A_43 : i32
        %dma_start3A_45 = tpu.memref_slice %arg8[%mul3A_44] : memref<10000xi32, #tpu.memory_space<vmem>> -> memref<40xi32, #tpu.memory_space<vmem>>
        %dma_start3A_46 = arith.constant 0 : i32
        %dma_start3A_47 = arith.constant 0 : i32
        %dma_start3A_48 = tpu.memref_slice %arg4[%dma_start3A_46, %dma_start3A_47] : memref<10000x128xf32, #tpu.memory_space<hbm>> -> memref<10000x128xf32, #tpu.memory_space<hbm>>
        tpu.enqueue_indirect_dma source(%dma_start3A_48 : memref<10000x128xf32, #tpu.memory_space<hbm>>) target(%arg11 : memref<40x128xf32, #tpu.memory_space<vmem>>) offsets(%dma_start3A_45 : memref<40xi32, #tpu.memory_space<vmem>>) semaphore(%arg14 : memref<!tpu.dma_semaphore, #tpu.memory_space<semaphore_mem>>)
        %dma_wait3A = arith.constant 0 : i32
        %dma_wait3A_49 = arith.constant 0 : i32
        %dma_wait3A_50 = tpu.memref_slice %arg4[%dma_wait3A, %dma_wait3A_49] : memref<10000x128xf32, #tpu.memory_space<hbm>> -> memref<40x128xf32, #tpu.memory_space<hbm>>
        %dma_wait3A_51 = arith.constant 0 : i32
        %dma_wait3A_52 = arith.constant 0 : i32
        %dma_wait3A_53 = tpu.memref_slice %arg4[%dma_wait3A_51, %dma_wait3A_52] : memref<10000x128xf32, #tpu.memory_space<hbm>> -> memref<40x128xf32, #tpu.memory_space<hbm>>
        tpu.wait_dma2 semaphore(%arg13 : memref<!tpu.dma_semaphore, #tpu.memory_space<semaphore_mem>>) src(%dma_wait3A_53 : memref<40x128xf32, #tpu.memory_space<hbm>>) dst(%arg10 : memref<40x128xf32, #tpu.memory_space<vmem>>)
        %mul3A_54 = arith.constant 2 : i32
        %mul3A_55 = arith.muli %mul3A_54, %scan3A_39 : i32
        %mul3A_56 = arith.constant 40 : i32
        %mul3A_57 = arith.muli %mul3A_55, %mul3A_56 : i32
        "tpu.region"() ({
          %run_scoped3A = tpu.sem_alloc : memref<!tpu.dma_semaphore, #tpu.memory_space<semaphore_mem>>
          %dma_start3A_75 = tpu.memref_slice %arg9[%mul3A_57] : memref<10000xi32, #tpu.memory_space<vmem>> -> memref<40xi32, #tpu.memory_space<vmem>>
          %dma_start3A_76 = arith.constant 0 : i32
          %dma_start3A_77 = arith.constant 0 : i32
          %dma_start3A_78 = tpu.memref_slice %arg12[%dma_start3A_76, %dma_start3A_77] : memref<10000x128xf32, #tpu.memory_space<vmem_shared>> -> memref<10000x128xf32, #tpu.memory_space<vmem_shared>>
          tpu.enqueue_indirect_dma source(%arg10 : memref<40x128xf32, #tpu.memory_space<vmem>>) target(%dma_start3A_78 : memref<10000x128xf32, #tpu.memory_space<vmem_shared>>) offsets(%dma_start3A_75 : memref<40xi32, #tpu.memory_space<vmem>>) semaphore(%run_scoped3A : memref<!tpu.dma_semaphore, #tpu.memory_space<semaphore_mem>>) {add = true}
          %dma_wait3A_79 = tpu.memref_slice %arg9[%mul3A_57] : memref<10000xi32, #tpu.memory_space<vmem>> -> memref<40xi32, #tpu.memory_space<vmem>>
          %dma_wait3A_80 = arith.constant 0 : i32
          %dma_wait3A_81 = arith.constant 0 : i32
          %dma_wait3A_82 = tpu.memref_slice %arg12[%dma_wait3A_80, %dma_wait3A_81] : memref<10000x128xf32, #tpu.memory_space<vmem_shared>> -> memref<10000x128xf32, #tpu.memory_space<vmem_shared>>
          tpu.wait_indirect_dma semaphore(%run_scoped3A : memref<!tpu.dma_semaphore, #tpu.memory_space<semaphore_mem>>) src(%arg10 : memref<40x128xf32, #tpu.memory_space<vmem>>) dst(%dma_wait3A_82 : memref<10000x128xf32, #tpu.memory_space<vmem_shared>>)
          tpu.yield
        }) : () -> ()
        %lt3A_58 = arith.constant 124 : i32
        %lt3A_59 = arith.cmpi slt, %scan3A_39, %lt3A_58 : i32
        %convert_element_type3A_60 = arith.extui %lt3A_59 : i1 to i32
        %cond3A_61 = arith.constant 0 : i32
        %cond3A_62 = arith.cmpi ne, %convert_element_type3A_60, %cond3A_61 : i32
        scf.if %cond3A_62 {
          %mul3A_75 = arith.constant 2 : i32
          %mul3A_76 = arith.muli %mul3A_75, %scan3A_39 : i32
          %add3A_77 = arith.constant 2 : i32
          %add3A_78 = arith.addi %mul3A_76, %add3A_77 : i32
          %mul3A_79 = arith.constant 40 : i32
          %mul3A_80 = arith.muli %add3A_78, %mul3A_79 : i32
          %dma_start3A_81 = tpu.memref_slice %arg8[%mul3A_80] : memref<10000xi32, #tpu.memory_space<vmem>> -> memref<40xi32, #tpu.memory_space<vmem>>
          %dma_start3A_82 = arith.constant 0 : i32
          %dma_start3A_83 = arith.constant 0 : i32
          %dma_start3A_84 = tpu.memref_slice %arg4[%dma_start3A_82, %dma_start3A_83] : memref<10000x128xf32, #tpu.memory_space<hbm>> -> memref<10000x128xf32, #tpu.memory_space<hbm>>
          tpu.enqueue_indirect_dma source(%dma_start3A_84 : memref<10000x128xf32, #tpu.memory_space<hbm>>) target(%arg10 : memref<40x128xf32, #tpu.memory_space<vmem>>) offsets(%dma_start3A_81 : memref<40xi32, #tpu.memory_space<vmem>>) semaphore(%arg13 : memref<!tpu.dma_semaphore, #tpu.memory_space<semaphore_mem>>)
        } else {
        }
        %dma_wait3A_63 = arith.constant 0 : i32
        %dma_wait3A_64 = arith.constant 0 : i32
        %dma_wait3A_65 = tpu.memref_slice %arg4[%dma_wait3A_63, %dma_wait3A_64] : memref<10000x128xf32, #tpu.memory_space<hbm>> -> memref<40x128xf32, #tpu.memory_space<hbm>>
        %dma_wait3A_66 = arith.constant 0 : i32
        %dma_wait3A_67 = arith.constant 0 : i32
        %dma_wait3A_68 = tpu.memref_slice %arg4[%dma_wait3A_66, %dma_wait3A_67] : memref<10000x128xf32, #tpu.memory_space<hbm>> -> memref<40x128xf32, #tpu.memory_space<hbm>>
        tpu.wait_dma2 semaphore(%arg14 : memref<!tpu.dma_semaphore, #tpu.memory_space<semaphore_mem>>) src(%dma_wait3A_68 : memref<40x128xf32, #tpu.memory_space<hbm>>) dst(%arg11 : memref<40x128xf32, #tpu.memory_space<vmem>>)
        %mul3A_69 = arith.constant 2 : i32
        %mul3A_70 = arith.muli %mul3A_69, %scan3A_39 : i32
        %add3A_71 = arith.constant 1 : i32
        %add3A_72 = arith.addi %mul3A_70, %add3A_71 : i32
        %mul3A_73 = arith.constant 40 : i32
        %mul3A_74 = arith.muli %add3A_72, %mul3A_73 : i32
        "tpu.region"() ({
          %run_scoped3A = tpu.sem_alloc : memref<!tpu.dma_semaphore, #tpu.memory_space<semaphore_mem>>
          %dma_start3A_75 = tpu.memref_slice %arg9[%mul3A_74] : memref<10000xi32, #tpu.memory_space<vmem>> -> memref<40xi32, #tpu.memory_space<vmem>>
          %dma_start3A_76 = arith.constant 0 : i32
          %dma_start3A_77 = arith.constant 0 : i32
          %dma_start3A_78 = tpu.memref_slice %arg12[%dma_start3A_76, %dma_start3A_77] : memref<10000x128xf32, #tpu.memory_space<vmem_shared>> -> memref<10000x128xf32, #tpu.memory_space<vmem_shared>>
          tpu.enqueue_indirect_dma source(%arg11 : memref<40x128xf32, #tpu.memory_space<vmem>>) target(%dma_start3A_78 : memref<10000x128xf32, #tpu.memory_space<vmem_shared>>) offsets(%dma_start3A_75 : memref<40xi32, #tpu.memory_space<vmem>>) semaphore(%run_scoped3A : memref<!tpu.dma_semaphore, #tpu.memory_space<semaphore_mem>>) {add = true}
          %dma_wait3A_79 = tpu.memref_slice %arg9[%mul3A_74] : memref<10000xi32, #tpu.memory_space<vmem>> -> memref<40xi32, #tpu.memory_space<vmem>>
          %dma_wait3A_80 = arith.constant 0 : i32
          %dma_wait3A_81 = arith.constant 0 : i32
          %dma_wait3A_82 = tpu.memref_slice %arg12[%dma_wait3A_80, %dma_wait3A_81] : memref<10000x128xf32, #tpu.memory_space<vmem_shared>> -> memref<10000x128xf32, #tpu.memory_space<vmem_shared>>
          tpu.wait_indirect_dma semaphore(%run_scoped3A : memref<!tpu.dma_semaphore, #tpu.memory_space<semaphore_mem>>) src(%arg11 : memref<40x128xf32, #tpu.memory_space<vmem>>) dst(%dma_wait3A_82 : memref<10000x128xf32, #tpu.memory_space<vmem_shared>>)
          tpu.yield
        }) : () -> ()
      }
      %scan3A_27 = arith.constant 125 : i32
      %barrier3A_28 = arith.constant 0 : index
      tpu.barrier barrier_id(%barrier3A_28)
      %lt3A_29 = arith.constant 15 : i32
      %lt3A_30 = arith.cmpi slt, %arg1, %lt3A_29 : i32
      %convert_element_type3A_31 = arith.extui %lt3A_30 : i1 to i32
      %cond3A_32 = arith.constant 0 : i32
      %cond3A_33 = arith.cmpi ne, %convert_element_type3A_31, %cond3A_32 : i32
      scf.if %cond3A_33 {
        %mul3A_39 = arith.constant 632 : i32
        %mul3A_40 = arith.muli %arg1, %mul3A_39 : i32
        %mul3A_41 = arith.constant 632 : i32
        %mul3A_42 = arith.muli %arg1, %mul3A_41 : i32
        "tpu.region"() ({
          %run_scoped3A = tpu.sem_alloc : memref<!tpu.dma_semaphore, #tpu.memory_space<semaphore_mem>>
          %dma_start3A_43 = arith.constant 0 : i32
          %dma_start3A_44 = tpu.memref_slice %arg6[%mul3A_42, %dma_start3A_43] : memref<10000x128xf32, #tpu.memory_space<hbm>> -> memref<632x128xf32, #tpu.memory_space<hbm>>
          %dma_start3A_45 = arith.constant 0 : i32
          %dma_start3A_46 = tpu.memref_slice %arg12[%mul3A_40, %dma_start3A_45] : memref<10000x128xf32, #tpu.memory_space<vmem_shared>> -> memref<632x128xf32, #tpu.memory_space<vmem_shared>>
          tpu.enqueue_dma source(%dma_start3A_46 : memref<632x128xf32, #tpu.memory_space<vmem_shared>>) target(%dma_start3A_44 : memref<632x128xf32, #tpu.memory_space<hbm>>) target_semaphore(%run_scoped3A : memref<!tpu.dma_semaphore, #tpu.memory_space<semaphore_mem>>)
          %dma_wait3A = arith.constant 0 : i32
          %dma_wait3A_47 = tpu.memref_slice %arg6[%mul3A_42, %dma_wait3A] : memref<10000x128xf32, #tpu.memory_space<hbm>> -> memref<632x128xf32, #tpu.memory_space<hbm>>
          %dma_wait3A_48 = arith.constant 0 : i32
          %dma_wait3A_49 = tpu.memref_slice %arg12[%mul3A_40, %dma_wait3A_48] : memref<10000x128xf32, #tpu.memory_space<vmem_shared>> -> memref<632x128xf32, #tpu.memory_space<vmem_shared>>
          tpu.wait_dma2 semaphore(%run_scoped3A : memref<!tpu.dma_semaphore, #tpu.memory_space<semaphore_mem>>) src(%dma_wait3A_49 : memref<632x128xf32, #tpu.memory_space<vmem_shared>>) dst(%dma_wait3A_47 : memref<632x128xf32, #tpu.memory_space<hbm>>)
          tpu.yield
        }) : () -> ()
      } else {
      }
      %eq3A_34 = arith.constant 15 : i32
      %eq3A_35 = arith.cmpi eq, %arg1, %eq3A_34 : i32
      %convert_element_type3A_36 = arith.extui %eq3A_35 : i1 to i32
      %cond3A_37 = arith.constant 0 : i32
      %cond3A_38 = arith.cmpi ne, %convert_element_type3A_36, %cond3A_37 : i32
      scf.if %cond3A_38 {
        "tpu.region"() ({
          %run_scoped3A = tpu.sem_alloc : memref<!tpu.dma_semaphore, #tpu.memory_space<semaphore_mem>>
          %dma_start3A_39 = arith.constant 9480 : i32
          %dma_start3A_40 = arith.constant 0 : i32
          %dma_start3A_41 = tpu.memref_slice %arg6[%dma_start3A_39, %dma_start3A_40] : memref<10000x128xf32, #tpu.memory_space<hbm>> -> memref<520x128xf32, #tpu.memory_space<hbm>>
          %dma_start3A_42 = arith.constant 9480 : i32
          %dma_start3A_43 = arith.constant 0 : i32
          %dma_start3A_44 = tpu.memref_slice %arg12[%dma_start3A_42, %dma_start3A_43] : memref<10000x128xf32, #tpu.memory_space<vmem_shared>> -> memref<520x128xf32, #tpu.memory_space<vmem_shared>>
          tpu.enqueue_dma source(%dma_start3A_44 : memref<520x128xf32, #tpu.memory_space<vmem_shared>>) target(%dma_start3A_41 : memref<520x128xf32, #tpu.memory_space<hbm>>) target_semaphore(%run_scoped3A : memref<!tpu.dma_semaphore, #tpu.memory_space<semaphore_mem>>)
          %dma_wait3A = arith.constant 9480 : i32
          %dma_wait3A_45 = arith.constant 0 : i32
          %dma_wait3A_46 = tpu.memref_slice %arg6[%dma_wait3A, %dma_wait3A_45] : memref<10000x128xf32, #tpu.memory_space<hbm>> -> memref<520x128xf32, #tpu.memory_space<hbm>>
          %dma_wait3A_47 = arith.constant 9480 : i32
          %dma_wait3A_48 = arith.constant 0 : i32
          %dma_wait3A_49 = tpu.memref_slice %arg12[%dma_wait3A_47, %dma_wait3A_48] : memref<10000x128xf32, #tpu.memory_space<vmem_shared>> -> memref<520x128xf32, #tpu.memory_space<vmem_shared>>
          tpu.wait_dma2 semaphore(%run_scoped3A : memref<!tpu.dma_semaphore, #tpu.memory_space<semaphore_mem>>) src(%dma_wait3A_49 : memref<520x128xf32, #tpu.memory_space<vmem_shared>>) dst(%dma_wait3A_46 : memref<520x128xf32, #tpu.memory_space<hbm>>)
          tpu.yield
        }) : () -> ()
      } else {
      }
    } else {
    }
    %eq3A_2 = arith.constant 1 : i32
    %eq3A_3 = arith.cmpi eq, %arg0, %eq3A_2 : i32
    %convert_element_type3A_4 = arith.extui %eq3A_3 : i1 to i32
    %cond3A_5 = arith.constant 0 : i32
    %cond3A_6 = arith.cmpi ne, %convert_element_type3A_4, %cond3A_5 : i32
    scf.if %cond3A_6 {
      %lt3A = arith.constant 15 : i32
      %lt3A_7 = arith.cmpi slt, %arg1, %lt3A : i32
      %convert_element_type3A_8 = arith.extui %lt3A_7 : i1 to i32
      %cond3A_9 = arith.constant 0 : i32
      %cond3A_10 = arith.cmpi ne, %convert_element_type3A_8, %cond3A_9 : i32
      scf.if %cond3A_10 {
        %mul3A_39 = arith.constant 632 : i32
        %mul3A_40 = arith.muli %arg1, %mul3A_39 : i32
        %mul3A_41 = arith.constant 632 : i32
        %mul3A_42 = arith.muli %arg1, %mul3A_41 : i32
        "tpu.region"() ({
          %run_scoped3A = tpu.sem_alloc : memref<!tpu.dma_semaphore, #tpu.memory_space<semaphore_mem>>
          %dma_start3A_43 = arith.constant 0 : i32
          %dma_start3A_44 = tpu.memref_slice %arg12[%mul3A_42, %dma_start3A_43] : memref<10000x128xf32, #tpu.memory_space<vmem_shared>> -> memref<632x128xf32, #tpu.memory_space<vmem_shared>>
          %dma_start3A_45 = arith.constant 0 : i32
          %dma_start3A_46 = tpu.memref_slice %arg5[%mul3A_40, %dma_start3A_45] : memref<10000x128xf32, #tpu.memory_space<hbm>> -> memref<632x128xf32, #tpu.memory_space<hbm>>
          tpu.enqueue_dma source(%dma_start3A_46 : memref<632x128xf32, #tpu.memory_space<hbm>>) target(%dma_start3A_44 : memref<632x128xf32, #tpu.memory_space<vmem_shared>>) target_semaphore(%run_scoped3A : memref<!tpu.dma_semaphore, #tpu.memory_space<semaphore_mem>>)
          %dma_wait3A = arith.constant 0 : i32
          %dma_wait3A_47 = tpu.memref_slice %arg12[%mul3A_42, %dma_wait3A] : memref<10000x128xf32, #tpu.memory_space<vmem_shared>> -> memref<632x128xf32, #tpu.memory_space<vmem_shared>>
          %dma_wait3A_48 = arith.constant 0 : i32
          %dma_wait3A_49 = tpu.memref_slice %arg5[%mul3A_40, %dma_wait3A_48] : memref<10000x128xf32, #tpu.memory_space<hbm>> -> memref<632x128xf32, #tpu.memory_space<hbm>>
          tpu.wait_dma2 semaphore(%run_scoped3A : memref<!tpu.dma_semaphore, #tpu.memory_space<semaphore_mem>>) src(%dma_wait3A_49 : memref<632x128xf32, #tpu.memory_space<hbm>>) dst(%dma_wait3A_47 : memref<632x128xf32, #tpu.memory_space<vmem_shared>>)
          tpu.yield
        }) : () -> ()
      } else {
      }
      %eq3A_11 = arith.constant 15 : i32
      %eq3A_12 = arith.cmpi eq, %arg1, %eq3A_11 : i32
      %convert_element_type3A_13 = arith.extui %eq3A_12 : i1 to i32
      %cond3A_14 = arith.constant 0 : i32
      %cond3A_15 = arith.cmpi ne, %convert_element_type3A_13, %cond3A_14 : i32
      scf.if %cond3A_15 {
        "tpu.region"() ({
          %run_scoped3A = tpu.sem_alloc : memref<!tpu.dma_semaphore, #tpu.memory_space<semaphore_mem>>
          %dma_start3A_39 = arith.constant 9480 : i32
          %dma_start3A_40 = arith.constant 0 : i32
          %dma_start3A_41 = tpu.memref_slice %arg12[%dma_start3A_39, %dma_start3A_40] : memref<10000x128xf32, #tpu.memory_space<vmem_shared>> -> memref<520x128xf32, #tpu.memory_space<vmem_shared>>
          %dma_start3A_42 = arith.constant 9480 : i32
          %dma_start3A_43 = arith.constant 0 : i32
          %dma_start3A_44 = tpu.memref_slice %arg5[%dma_start3A_42, %dma_start3A_43] : memref<10000x128xf32, #tpu.memory_space<hbm>> -> memref<520x128xf32, #tpu.memory_space<hbm>>
          tpu.enqueue_dma source(%dma_start3A_44 : memref<520x128xf32, #tpu.memory_space<hbm>>) target(%dma_start3A_41 : memref<520x128xf32, #tpu.memory_space<vmem_shared>>) target_semaphore(%run_scoped3A : memref<!tpu.dma_semaphore, #tpu.memory_space<semaphore_mem>>)
          %dma_wait3A = arith.constant 9480 : i32
          %dma_wait3A_45 = arith.constant 0 : i32
          %dma_wait3A_46 = tpu.memref_slice %arg12[%dma_wait3A, %dma_wait3A_45] : memref<10000x128xf32, #tpu.memory_space<vmem_shared>> -> memref<520x128xf32, #tpu.memory_space<vmem_shared>>
          %dma_wait3A_47 = arith.constant 9480 : i32
          %dma_wait3A_48 = arith.constant 0 : i32
          %dma_wait3A_49 = tpu.memref_slice %arg5[%dma_wait3A_47, %dma_wait3A_48] : memref<10000x128xf32, #tpu.memory_space<hbm>> -> memref<520x128xf32, #tpu.memory_space<hbm>>
          tpu.wait_dma2 semaphore(%run_scoped3A : memref<!tpu.dma_semaphore, #tpu.memory_space<semaphore_mem>>) src(%dma_wait3A_49 : memref<520x128xf32, #tpu.memory_space<hbm>>) dst(%dma_wait3A_46 : memref<520x128xf32, #tpu.memory_space<vmem_shared>>)
          tpu.yield
        }) : () -> ()
      } else {
      }
      %mul3A = arith.constant 10000 : i32
      %mul3A_16 = arith.muli %arg1, %mul3A : i32
      "tpu.region"() ({
        %run_scoped3A = tpu.sem_alloc : memref<!tpu.dma_semaphore, #tpu.memory_space<semaphore_mem>>
        %dma_start3A_39 = tpu.memref_slice %arg2[%mul3A_16] : memref<160000xi32, #tpu.memory_space<hbm>> -> memref<10000xi32, #tpu.memory_space<hbm>>
        %dma_start3A_40 = tpu.memref_slice %arg2[%mul3A_16] : memref<160000xi32, #tpu.memory_space<hbm>> -> memref<10000xi32, #tpu.memory_space<hbm>>
        tpu.enqueue_dma source(%dma_start3A_40 : memref<10000xi32, #tpu.memory_space<hbm>>) target(%arg8 : memref<10000xi32, #tpu.memory_space<vmem>>) target_semaphore(%run_scoped3A : memref<!tpu.dma_semaphore, #tpu.memory_space<semaphore_mem>>)
        %dma_wait3A = tpu.memref_slice %arg2[%mul3A_16] : memref<160000xi32, #tpu.memory_space<hbm>> -> memref<10000xi32, #tpu.memory_space<hbm>>
        %dma_wait3A_41 = tpu.memref_slice %arg2[%mul3A_16] : memref<160000xi32, #tpu.memory_space<hbm>> -> memref<10000xi32, #tpu.memory_space<hbm>>
        tpu.wait_dma2 semaphore(%run_scoped3A : memref<!tpu.dma_semaphore, #tpu.memory_space<semaphore_mem>>) src(%dma_wait3A_41 : memref<10000xi32, #tpu.memory_space<hbm>>) dst(%arg8 : memref<10000xi32, #tpu.memory_space<vmem>>)
        tpu.yield
      }) : () -> ()
      %mul3A_17 = arith.constant 10000 : i32
      %mul3A_18 = arith.muli %arg1, %mul3A_17 : i32
      "tpu.region"() ({
        %run_scoped3A = tpu.sem_alloc : memref<!tpu.dma_semaphore, #tpu.memory_space<semaphore_mem>>
        %dma_start3A_39 = tpu.memref_slice %arg3[%mul3A_18] : memref<160000xi32, #tpu.memory_space<hbm>> -> memref<10000xi32, #tpu.memory_space<hbm>>
        %dma_start3A_40 = tpu.memref_slice %arg3[%mul3A_18] : memref<160000xi32, #tpu.memory_space<hbm>> -> memref<10000xi32, #tpu.memory_space<hbm>>
        tpu.enqueue_dma source(%dma_start3A_40 : memref<10000xi32, #tpu.memory_space<hbm>>) target(%arg9 : memref<10000xi32, #tpu.memory_space<vmem>>) target_semaphore(%run_scoped3A : memref<!tpu.dma_semaphore, #tpu.memory_space<semaphore_mem>>)
        %dma_wait3A = tpu.memref_slice %arg3[%mul3A_18] : memref<160000xi32, #tpu.memory_space<hbm>> -> memref<10000xi32, #tpu.memory_space<hbm>>
        %dma_wait3A_41 = tpu.memref_slice %arg3[%mul3A_18] : memref<160000xi32, #tpu.memory_space<hbm>> -> memref<10000xi32, #tpu.memory_space<hbm>>
        tpu.wait_dma2 semaphore(%run_scoped3A : memref<!tpu.dma_semaphore, #tpu.memory_space<semaphore_mem>>) src(%dma_wait3A_41 : memref<10000xi32, #tpu.memory_space<hbm>>) dst(%arg9 : memref<10000xi32, #tpu.memory_space<vmem>>)
        tpu.yield
      }) : () -> ()
      %barrier3A = arith.constant 0 : index
      tpu.barrier barrier_id(%barrier3A)
      %dma_start3A = arith.constant 0 : i32
      %dma_start3A_19 = tpu.memref_slice %arg8[%dma_start3A] : memref<10000xi32, #tpu.memory_space<vmem>> -> memref<40xi32, #tpu.memory_space<vmem>>
      %dma_start3A_20 = arith.constant 0 : i32
      %dma_start3A_21 = arith.constant 0 : i32
      %dma_start3A_22 = tpu.memref_slice %arg5[%dma_start3A_20, %dma_start3A_21] : memref<10000x128xf32, #tpu.memory_space<hbm>> -> memref<10000x128xf32, #tpu.memory_space<hbm>>
      tpu.enqueue_indirect_dma source(%dma_start3A_22 : memref<10000x128xf32, #tpu.memory_space<hbm>>) target(%arg10 : memref<40x128xf32, #tpu.memory_space<vmem>>) offsets(%dma_start3A_19 : memref<40xi32, #tpu.memory_space<vmem>>) semaphore(%arg13 : memref<!tpu.dma_semaphore, #tpu.memory_space<semaphore_mem>>)
      %scan3A = arith.constant 0 : i32
      %scan3A_23 = arith.constant 0 : i32
      %scan3A_24 = arith.constant 125 : i32
      %scan3A_25 = arith.addi %scan3A_23, %scan3A_24 : i32
      %scan3A_26 = arith.constant 1 : i32
      scf.for %scan3A_39 = %scan3A_23 to %scan3A_25 step %scan3A_26  : i32 {
        %mul3A_40 = arith.constant 2 : i32
        %mul3A_41 = arith.muli %mul3A_40, %scan3A_39 : i32
        %add3A = arith.constant 1 : i32
        %add3A_42 = arith.addi %mul3A_41, %add3A : i32
        %mul3A_43 = arith.constant 40 : i32
        %mul3A_44 = arith.muli %add3A_42, %mul3A_43 : i32
        %dma_start3A_45 = tpu.memref_slice %arg8[%mul3A_44] : memref<10000xi32, #tpu.memory_space<vmem>> -> memref<40xi32, #tpu.memory_space<vmem>>
        %dma_start3A_46 = arith.constant 0 : i32
        %dma_start3A_47 = arith.constant 0 : i32
        %dma_start3A_48 = tpu.memref_slice %arg5[%dma_start3A_46, %dma_start3A_47] : memref<10000x128xf32, #tpu.memory_space<hbm>> -> memref<10000x128xf32, #tpu.memory_space<hbm>>
        tpu.enqueue_indirect_dma source(%dma_start3A_48 : memref<10000x128xf32, #tpu.memory_space<hbm>>) target(%arg11 : memref<40x128xf32, #tpu.memory_space<vmem>>) offsets(%dma_start3A_45 : memref<40xi32, #tpu.memory_space<vmem>>) semaphore(%arg14 : memref<!tpu.dma_semaphore, #tpu.memory_space<semaphore_mem>>)
        %dma_wait3A = arith.constant 0 : i32
        %dma_wait3A_49 = arith.constant 0 : i32
        %dma_wait3A_50 = tpu.memref_slice %arg5[%dma_wait3A, %dma_wait3A_49] : memref<10000x128xf32, #tpu.memory_space<hbm>> -> memref<40x128xf32, #tpu.memory_space<hbm>>
        %dma_wait3A_51 = arith.constant 0 : i32
        %dma_wait3A_52 = arith.constant 0 : i32
        %dma_wait3A_53 = tpu.memref_slice %arg5[%dma_wait3A_51, %dma_wait3A_52] : memref<10000x128xf32, #tpu.memory_space<hbm>> -> memref<40x128xf32, #tpu.memory_space<hbm>>
        tpu.wait_dma2 semaphore(%arg13 : memref<!tpu.dma_semaphore, #tpu.memory_space<semaphore_mem>>) src(%dma_wait3A_53 : memref<40x128xf32, #tpu.memory_space<hbm>>) dst(%arg10 : memref<40x128xf32, #tpu.memory_space<vmem>>)
        %mul3A_54 = arith.constant 2 : i32
        %mul3A_55 = arith.muli %mul3A_54, %scan3A_39 : i32
        %mul3A_56 = arith.constant 40 : i32
        %mul3A_57 = arith.muli %mul3A_55, %mul3A_56 : i32
        "tpu.region"() ({
          %run_scoped3A = tpu.sem_alloc : memref<!tpu.dma_semaphore, #tpu.memory_space<semaphore_mem>>
          %dma_start3A_75 = tpu.memref_slice %arg9[%mul3A_57] : memref<10000xi32, #tpu.memory_space<vmem>> -> memref<40xi32, #tpu.memory_space<vmem>>
          %dma_start3A_76 = arith.constant 0 : i32
          %dma_start3A_77 = arith.constant 0 : i32
          %dma_start3A_78 = tpu.memref_slice %arg12[%dma_start3A_76, %dma_start3A_77] : memref<10000x128xf32, #tpu.memory_space<vmem_shared>> -> memref<10000x128xf32, #tpu.memory_space<vmem_shared>>
          tpu.enqueue_indirect_dma source(%arg10 : memref<40x128xf32, #tpu.memory_space<vmem>>) target(%dma_start3A_78 : memref<10000x128xf32, #tpu.memory_space<vmem_shared>>) offsets(%dma_start3A_75 : memref<40xi32, #tpu.memory_space<vmem>>) semaphore(%run_scoped3A : memref<!tpu.dma_semaphore, #tpu.memory_space<semaphore_mem>>) {add = true}
          %dma_wait3A_79 = tpu.memref_slice %arg9[%mul3A_57] : memref<10000xi32, #tpu.memory_space<vmem>> -> memref<40xi32, #tpu.memory_space<vmem>>
          %dma_wait3A_80 = arith.constant 0 : i32
          %dma_wait3A_81 = arith.constant 0 : i32
          %dma_wait3A_82 = tpu.memref_slice %arg12[%dma_wait3A_80, %dma_wait3A_81] : memref<10000x128xf32, #tpu.memory_space<vmem_shared>> -> memref<10000x128xf32, #tpu.memory_space<vmem_shared>>
          tpu.wait_indirect_dma semaphore(%run_scoped3A : memref<!tpu.dma_semaphore, #tpu.memory_space<semaphore_mem>>) src(%arg10 : memref<40x128xf32, #tpu.memory_space<vmem>>) dst(%dma_wait3A_82 : memref<10000x128xf32, #tpu.memory_space<vmem_shared>>)
          tpu.yield
        }) : () -> ()
        %lt3A_58 = arith.constant 124 : i32
        %lt3A_59 = arith.cmpi slt, %scan3A_39, %lt3A_58 : i32
        %convert_element_type3A_60 = arith.extui %lt3A_59 : i1 to i32
        %cond3A_61 = arith.constant 0 : i32
        %cond3A_62 = arith.cmpi ne, %convert_element_type3A_60, %cond3A_61 : i32
        scf.if %cond3A_62 {
          %mul3A_75 = arith.constant 2 : i32
          %mul3A_76 = arith.muli %mul3A_75, %scan3A_39 : i32
          %add3A_77 = arith.constant 2 : i32
          %add3A_78 = arith.addi %mul3A_76, %add3A_77 : i32
          %mul3A_79 = arith.constant 40 : i32
          %mul3A_80 = arith.muli %add3A_78, %mul3A_79 : i32
          %dma_start3A_81 = tpu.memref_slice %arg8[%mul3A_80] : memref<10000xi32, #tpu.memory_space<vmem>> -> memref<40xi32, #tpu.memory_space<vmem>>
          %dma_start3A_82 = arith.constant 0 : i32
          %dma_start3A_83 = arith.constant 0 : i32
          %dma_start3A_84 = tpu.memref_slice %arg5[%dma_start3A_82, %dma_start3A_83] : memref<10000x128xf32, #tpu.memory_space<hbm>> -> memref<10000x128xf32, #tpu.memory_space<hbm>>
          tpu.enqueue_indirect_dma source(%dma_start3A_84 : memref<10000x128xf32, #tpu.memory_space<hbm>>) target(%arg10 : memref<40x128xf32, #tpu.memory_space<vmem>>) offsets(%dma_start3A_81 : memref<40xi32, #tpu.memory_space<vmem>>) semaphore(%arg13 : memref<!tpu.dma_semaphore, #tpu.memory_space<semaphore_mem>>)
        } else {
        }
        %dma_wait3A_63 = arith.constant 0 : i32
        %dma_wait3A_64 = arith.constant 0 : i32
        %dma_wait3A_65 = tpu.memref_slice %arg5[%dma_wait3A_63, %dma_wait3A_64] : memref<10000x128xf32, #tpu.memory_space<hbm>> -> memref<40x128xf32, #tpu.memory_space<hbm>>
        %dma_wait3A_66 = arith.constant 0 : i32
        %dma_wait3A_67 = arith.constant 0 : i32
        %dma_wait3A_68 = tpu.memref_slice %arg5[%dma_wait3A_66, %dma_wait3A_67] : memref<10000x128xf32, #tpu.memory_space<hbm>> -> memref<40x128xf32, #tpu.memory_space<hbm>>
        tpu.wait_dma2 semaphore(%arg14 : memref<!tpu.dma_semaphore, #tpu.memory_space<semaphore_mem>>) src(%dma_wait3A_68 : memref<40x128xf32, #tpu.memory_space<hbm>>) dst(%arg11 : memref<40x128xf32, #tpu.memory_space<vmem>>)
        %mul3A_69 = arith.constant 2 : i32
        %mul3A_70 = arith.muli %mul3A_69, %scan3A_39 : i32
        %add3A_71 = arith.constant 1 : i32
        %add3A_72 = arith.addi %mul3A_70, %add3A_71 : i32
        %mul3A_73 = arith.constant 40 : i32
        %mul3A_74 = arith.muli %add3A_72, %mul3A_73 : i32
        "tpu.region"() ({
          %run_scoped3A = tpu.sem_alloc : memref<!tpu.dma_semaphore, #tpu.memory_space<semaphore_mem>>
          %dma_start3A_75 = tpu.memref_slice %arg9[%mul3A_74] : memref<10000xi32, #tpu.memory_space<vmem>> -> memref<40xi32, #tpu.memory_space<vmem>>
          %dma_start3A_76 = arith.constant 0 : i32
          %dma_start3A_77 = arith.constant 0 : i32
          %dma_start3A_78 = tpu.memref_slice %arg12[%dma_start3A_76, %dma_start3A_77] : memref<10000x128xf32, #tpu.memory_space<vmem_shared>> -> memref<10000x128xf32, #tpu.memory_space<vmem_shared>>
          tpu.enqueue_indirect_dma source(%arg11 : memref<40x128xf32, #tpu.memory_space<vmem>>) target(%dma_start3A_78 : memref<10000x128xf32, #tpu.memory_space<vmem_shared>>) offsets(%dma_start3A_75 : memref<40xi32, #tpu.memory_space<vmem>>) semaphore(%run_scoped3A : memref<!tpu.dma_semaphore, #tpu.memory_space<semaphore_mem>>) {add = true}
          %dma_wait3A_79 = tpu.memref_slice %arg9[%mul3A_74] : memref<10000xi32, #tpu.memory_space<vmem>> -> memref<40xi32, #tpu.memory_space<vmem>>
          %dma_wait3A_80 = arith.constant 0 : i32
          %dma_wait3A_81 = arith.constant 0 : i32
          %dma_wait3A_82 = tpu.memref_slice %arg12[%dma_wait3A_80, %dma_wait3A_81] : memref<10000x128xf32, #tpu.memory_space<vmem_shared>> -> memref<10000x128xf32, #tpu.memory_space<vmem_shared>>
          tpu.wait_indirect_dma semaphore(%run_scoped3A : memref<!tpu.dma_semaphore, #tpu.memory_space<semaphore_mem>>) src(%arg11 : memref<40x128xf32, #tpu.memory_space<vmem>>) dst(%dma_wait3A_82 : memref<10000x128xf32, #tpu.memory_space<vmem_shared>>)
          tpu.yield
        }) : () -> ()
      }
      %scan3A_27 = arith.constant 125 : i32
      %barrier3A_28 = arith.constant 0 : index
      tpu.barrier barrier_id(%barrier3A_28)
      %lt3A_29 = arith.constant 15 : i32
      %lt3A_30 = arith.cmpi slt, %arg1, %lt3A_29 : i32
      %convert_element_type3A_31 = arith.extui %lt3A_30 : i1 to i32
      %cond3A_32 = arith.constant 0 : i32
      %cond3A_33 = arith.cmpi ne, %convert_element_type3A_31, %cond3A_32 : i32
      scf.if %cond3A_33 {
        %mul3A_39 = arith.constant 632 : i32
        %mul3A_40 = arith.muli %arg1, %mul3A_39 : i32
        %mul3A_41 = arith.constant 632 : i32
        %mul3A_42 = arith.muli %arg1, %mul3A_41 : i32
        "tpu.region"() ({
          %run_scoped3A = tpu.sem_alloc : memref<!tpu.dma_semaphore, #tpu.memory_space<semaphore_mem>>
          %dma_start3A_43 = arith.constant 0 : i32
          %dma_start3A_44 = tpu.memref_slice %arg7[%mul3A_42, %dma_start3A_43] : memref<10000x128xf32, #tpu.memory_space<hbm>> -> memref<632x128xf32, #tpu.memory_space<hbm>>
          %dma_start3A_45 = arith.constant 0 : i32
          %dma_start3A_46 = tpu.memref_slice %arg12[%mul3A_40, %dma_start3A_45] : memref<10000x128xf32, #tpu.memory_space<vmem_shared>> -> memref<632x128xf32, #tpu.memory_space<vmem_shared>>
          tpu.enqueue_dma source(%dma_start3A_46 : memref<632x128xf32, #tpu.memory_space<vmem_shared>>) target(%dma_start3A_44 : memref<632x128xf32, #tpu.memory_space<hbm>>) target_semaphore(%run_scoped3A : memref<!tpu.dma_semaphore, #tpu.memory_space<semaphore_mem>>)
          %dma_wait3A = arith.constant 0 : i32
          %dma_wait3A_47 = tpu.memref_slice %arg7[%mul3A_42, %dma_wait3A] : memref<10000x128xf32, #tpu.memory_space<hbm>> -> memref<632x128xf32, #tpu.memory_space<hbm>>
          %dma_wait3A_48 = arith.constant 0 : i32
          %dma_wait3A_49 = tpu.memref_slice %arg12[%mul3A_40, %dma_wait3A_48] : memref<10000x128xf32, #tpu.memory_space<vmem_shared>> -> memref<632x128xf32, #tpu.memory_space<vmem_shared>>
          tpu.wait_dma2 semaphore(%run_scoped3A : memref<!tpu.dma_semaphore, #tpu.memory_space<semaphore_mem>>) src(%dma_wait3A_49 : memref<632x128xf32, #tpu.memory_space<vmem_shared>>) dst(%dma_wait3A_47 : memref<632x128xf32, #tpu.memory_space<hbm>>)
          tpu.yield
        }) : () -> ()
      } else {
      }
      %eq3A_34 = arith.constant 15 : i32
      %eq3A_35 = arith.cmpi eq, %arg1, %eq3A_34 : i32
      %convert_element_type3A_36 = arith.extui %eq3A_35 : i1 to i32
      %cond3A_37 = arith.constant 0 : i32
      %cond3A_38 = arith.cmpi ne, %convert_element_type3A_36, %cond3A_37 : i32
      scf.if %cond3A_38 {
        "tpu.region"() ({
          %run_scoped3A = tpu.sem_alloc : memref<!tpu.dma_semaphore, #tpu.memory_space<semaphore_mem>>
          %dma_start3A_39 = arith.constant 9480 : i32
          %dma_start3A_40 = arith.constant 0 : i32
          %dma_start3A_41 = tpu.memref_slice %arg7[%dma_start3A_39, %dma_start3A_40] : memref<10000x128xf32, #tpu.memory_space<hbm>> -> memref<520x128xf32, #tpu.memory_space<hbm>>
          %dma_start3A_42 = arith.constant 9480 : i32
          %dma_start3A_43 = arith.constant 0 : i32
          %dma_start3A_44 = tpu.memref_slice %arg12[%dma_start3A_42, %dma_start3A_43] : memref<10000x128xf32, #tpu.memory_space<vmem_shared>> -> memref<520x128xf32, #tpu.memory_space<vmem_shared>>
          tpu.enqueue_dma source(%dma_start3A_44 : memref<520x128xf32, #tpu.memory_space<vmem_shared>>) target(%dma_start3A_41 : memref<520x128xf32, #tpu.memory_space<hbm>>) target_semaphore(%run_scoped3A : memref<!tpu.dma_semaphore, #tpu.memory_space<semaphore_mem>>)
          %dma_wait3A = arith.constant 9480 : i32
          %dma_wait3A_45 = arith.constant 0 : i32
          %dma_wait3A_46 = tpu.memref_slice %arg7[%dma_wait3A, %dma_wait3A_45] : memref<10000x128xf32, #tpu.memory_space<hbm>> -> memref<520x128xf32, #tpu.memory_space<hbm>>
          %dma_wait3A_47 = arith.constant 9480 : i32
          %dma_wait3A_48 = arith.constant 0 : i32
          %dma_wait3A_49 = tpu.memref_slice %arg12[%dma_wait3A_47, %dma_wait3A_48] : memref<10000x128xf32, #tpu.memory_space<vmem_shared>> -> memref<520x128xf32, #tpu.memory_space<vmem_shared>>
          tpu.wait_dma2 semaphore(%run_scoped3A : memref<!tpu.dma_semaphore, #tpu.memory_space<semaphore_mem>>) src(%dma_wait3A_49 : memref<520x128xf32, #tpu.memory_space<vmem_shared>>) dst(%dma_wait3A_46 : memref<520x128xf32, #tpu.memory_space<hbm>>)
          tpu.yield
        }) : () -> ()
      } else {
      }
    } else {
    }
    return
  }
}

module attributes {stable_mosaic.version = 14 : i64} {
  func.func @_mm1_body(%arg0: i32, %arg1: memref<1000x256xf32, #tpu.memory_space<vmem>>, %arg2: memref<256x256xf32, #tpu.memory_space<vmem>>, %arg3: memref<1000x1xf32, #tpu.memory_space<vmem>>, %arg4: memref<1000x1xf32, #tpu.memory_space<vmem>>, %arg5: memref<1000x128xf32, #tpu.memory_space<vmem>>, %arg6: memref<1000x128xf32, #tpu.memory_space<vmem>>, %arg7: memref<1000x1xf32, #tpu.memory_space<vmem>>) attributes {dimension_semantics = [#tpu.dimension_semantics<arbitrary>], iteration_bounds = array<i64: 10>, scalar_prefetch = 0 : i64, scratch_operands = 0 : i64, tpu.core_type = #tpu.core_type<tc>, window_params = [{transform_indices = @transform_0, window_bounds = array<i64: 1000, 256>}, {pipeline_mode = #tpu.pipeline_mode<synchronous>, transform_indices = @transform_1, window_bounds = array<i64: 256, 256>}, {transform_indices = @transform_2, window_bounds = array<i64: 1000, 1>}, {transform_indices = @transform_3, window_bounds = array<i64: 1000, 1>}, {transform_indices = @transform_4, window_bounds = array<i64: 1000, 128>}, {transform_indices = @transform_5, window_bounds = array<i64: 1000, 128>}, {transform_indices = @transform_6, window_bounds = array<i64: 1000, 1>}]} {
    %get3A = arith.constant 0 : index
    %get3A_0 = arith.constant 0 : index
    %get3A_1 = vector.load %arg3[%get3A, %get3A_0] : memref<1000x1xf32, #tpu.memory_space<vmem>>, vector<1000x1xf32>
    %get3A_2 = arith.constant 0 : index
    %get3A_3 = arith.constant 0 : index
    %get3A_4 = vector.load %arg4[%get3A_2, %get3A_3] : memref<1000x1xf32, #tpu.memory_space<vmem>>, vector<1000x1xf32>
    %add3A = arith.addf %get3A_1, %get3A_4 : vector<1000x1xf32>
    %add3A_5 = arith.constant 1.000000e+00 : f32
    %add3A_6 = vector.broadcast %add3A_5 : f32 to vector<1000x1xf32>
    %add3A_7 = arith.addf %add3A, %add3A_6 : vector<1000x1xf32>
    %rsqrt3A = math.rsqrt %add3A_7 : vector<1000x1xf32>
    %get3A_8 = arith.constant 0 : index
    %get3A_9 = arith.constant 0 : index
    %get3A_10 = vector.load %arg1[%get3A_8, %get3A_9] : memref<1000x256xf32, #tpu.memory_space<vmem>>, vector<1000x256xf32>
    %get3A_11 = arith.constant 0 : index
    %get3A_12 = arith.constant 0 : index
    %get3A_13 = vector.load %arg2[%get3A_11, %get3A_12] : memref<256x256xf32, #tpu.memory_space<vmem>>, vector<256x256xf32>
    %dot_general3A = arith.constant dense<0.000000e+00> : vector<1000x256xf32>
    %dot_general3A_14 = tpu.matmul %get3A_10, %get3A_13, %dot_general3A {dimension_numbers = #tpu.dot_dimension_numbers<[1], [0], [0], [1], [0, 0, 1, 1], [], []>, transpose_lhs_hint = false} : vector<1000x256xf32>, vector<256x256xf32>, vector<1000x256xf32> -> vector<1000x256xf32>
    %mul3A = vector.broadcast %rsqrt3A : vector<1000x1xf32> to vector<1000x256xf32>
    %mul3A_15 = arith.mulf %dot_general3A_14, %mul3A : vector<1000x256xf32>
    %slice3A = vector.extract_strided_slice %mul3A_15 {offsets = [0, 0], sizes = [1000, 128], strides = [1, 1]} : vector<1000x256xf32> to vector<1000x128xf32>
    %swap3A = arith.constant 0 : index
    %swap3A_16 = arith.constant 0 : index
    %swap3A_17 = vector.load %arg5[%swap3A, %swap3A_16] : memref<1000x128xf32, #tpu.memory_space<vmem>>, vector<1000x128xf32>
    tpu.vector_store %arg5[%swap3A, %swap3A_16], %slice3A {strides = array<i32>} : memref<1000x128xf32, #tpu.memory_space<vmem>>, vector<1000x128xf32>,
    %slice3A_18 = vector.extract_strided_slice %mul3A_15 {offsets = [0, 128], sizes = [1000, 128], strides = [1, 1]} : vector<1000x256xf32> to vector<1000x128xf32>
    %swap3A_19 = arith.constant 0 : index
    %swap3A_20 = arith.constant 0 : index
    %swap3A_21 = vector.load %arg6[%swap3A_19, %swap3A_20] : memref<1000x128xf32, #tpu.memory_space<vmem>>, vector<1000x128xf32>
    tpu.vector_store %arg6[%swap3A_19, %swap3A_20], %slice3A_18 {strides = array<i32>} : memref<1000x128xf32, #tpu.memory_space<vmem>>, vector<1000x128xf32>,
    %swap3A_22 = arith.constant 0 : index
    %swap3A_23 = arith.constant 0 : index
    %swap3A_24 = vector.load %arg7[%swap3A_22, %swap3A_23] : memref<1000x1xf32, #tpu.memory_space<vmem>>, vector<1000x1xf32>
    tpu.vector_store %arg7[%swap3A_22, %swap3A_23], %rsqrt3A {strides = array<i32>} : memref<1000x1xf32, #tpu.memory_space<vmem>>, vector<1000x1xf32>,
    return
  }
  func.func @transform_0(%arg0: i32) -> (i32, i32) {
    %c0_i32 = arith.constant 0 : i32
    %c0_i32_0 = arith.constant 0 : i32
    return %arg0, %c0_i32 : i32, i32
  }
  func.func @transform_1(%arg0: i32) -> (i32, i32) {
    %c0_i32 = arith.constant 0 : i32
    %c0_i32_0 = arith.constant 0 : i32
    %c0_i32_1 = arith.constant 0 : i32
    return %c0_i32, %c0_i32_0 : i32, i32
  }
  func.func @transform_2(%arg0: i32) -> (i32, i32) {
    %c0_i32 = arith.constant 0 : i32
    %c0_i32_0 = arith.constant 0 : i32
    return %arg0, %c0_i32 : i32, i32
  }
  func.func @transform_3(%arg0: i32) -> (i32, i32) {
    %c0_i32 = arith.constant 0 : i32
    %c0_i32_0 = arith.constant 0 : i32
    return %arg0, %c0_i32 : i32, i32
  }
  func.func @transform_4(%arg0: i32) -> (i32, i32) {
    %c0_i32 = arith.constant 0 : i32
    %c0_i32_0 = arith.constant 0 : i32
    return %arg0, %c0_i32 : i32, i32
  }
  func.func @transform_5(%arg0: i32) -> (i32, i32) {
    %c0_i32 = arith.constant 0 : i32
    %c0_i32_0 = arith.constant 0 : i32
    return %arg0, %c0_i32 : i32, i32
  }
  func.func @transform_6(%arg0: i32) -> (i32, i32) {
    %c0_i32 = arith.constant 0 : i32
    %c0_i32_0 = arith.constant 0 : i32
    return %arg0, %c0_i32 : i32, i32
  }
}

module attributes {stable_mosaic.version = 14 : i64} {
  func.func @_mm2_body(%arg0: i32, %arg1: memref<1000x128xf32, #tpu.memory_space<vmem>>, %arg2: memref<1000x128xf32, #tpu.memory_space<vmem>>, %arg3: memref<1000x1xf32, #tpu.memory_space<vmem>>, %arg4: memref<1x256xf32, #tpu.memory_space<vmem>>, %arg5: memref<256x256xf32, #tpu.memory_space<vmem>>, %arg6: memref<1000x128xf32, #tpu.memory_space<vmem>>, %arg7: memref<1000x128xf32, #tpu.memory_space<vmem>>) attributes {dimension_semantics = [#tpu.dimension_semantics<arbitrary>], iteration_bounds = array<i64: 10>, scalar_prefetch = 0 : i64, scratch_operands = 0 : i64, tpu.core_type = #tpu.core_type<tc>, window_params = [{transform_indices = @transform_0, window_bounds = array<i64: 1000, 128>}, {transform_indices = @transform_1, window_bounds = array<i64: 1000, 128>}, {transform_indices = @transform_2, window_bounds = array<i64: 1000, 1>}, {pipeline_mode = #tpu.pipeline_mode<synchronous>, transform_indices = @transform_3, window_bounds = array<i64: 1, 256>}, {pipeline_mode = #tpu.pipeline_mode<synchronous>, transform_indices = @transform_4, window_bounds = array<i64: 256, 256>}, {transform_indices = @transform_5, window_bounds = array<i64: 1000, 128>}, {transform_indices = @transform_6, window_bounds = array<i64: 1000, 128>}]} {
    %get3A = arith.constant 0 : index
    %get3A_0 = arith.constant 0 : index
    %get3A_1 = vector.load %arg3[%get3A, %get3A_0] : memref<1000x1xf32, #tpu.memory_space<vmem>>, vector<1000x1xf32>
    %get3A_2 = arith.constant 0 : index
    %get3A_3 = arith.constant 0 : index
    %get3A_4 = vector.load %arg1[%get3A_2, %get3A_3] : memref<1000x128xf32, #tpu.memory_space<vmem>>, vector<1000x128xf32>
    %get3A_5 = arith.constant 0 : index
    %get3A_6 = arith.constant 0 : index
    %get3A_7 = vector.load %arg2[%get3A_5, %get3A_6] : memref<1000x128xf32, #tpu.memory_space<vmem>>, vector<1000x128xf32>
    %concatenate3A = tpu.concatenate %get3A_4, %get3A_7 in 1 : vector<1000x128xf32>, vector<1000x128xf32> -> vector<1000x256xf32>
    %mul3A = vector.broadcast %get3A_1 : vector<1000x1xf32> to vector<1000x256xf32>
    %mul3A_8 = arith.mulf %concatenate3A, %mul3A : vector<1000x256xf32>
    %get3A_9 = arith.constant 0 : index
    %get3A_10 = arith.constant 0 : index
    %get3A_11 = vector.load %arg4[%get3A_9, %get3A_10] : memref<1x256xf32, #tpu.memory_space<vmem>>, vector<1x256xf32>
    %add3A = vector.broadcast %get3A_11 : vector<1x256xf32> to vector<1000x256xf32>
    %add3A_12 = arith.addf %mul3A_8, %add3A : vector<1000x256xf32>
    %max3A = arith.constant 0.000000e+00 : f32
    %max3A_13 = vector.broadcast %max3A : f32 to vector<1000x256xf32>
    %max3A_14 = arith.maximumf %add3A_12, %max3A_13 : vector<1000x256xf32>
    %get3A_15 = arith.constant 0 : index
    %get3A_16 = arith.constant 0 : index
    %get3A_17 = vector.load %arg5[%get3A_15, %get3A_16] : memref<256x256xf32, #tpu.memory_space<vmem>>, vector<256x256xf32>
    %dot_general3A = arith.constant dense<0.000000e+00> : vector<1000x256xf32>
    %dot_general3A_18 = tpu.matmul %max3A_14, %get3A_17, %dot_general3A {dimension_numbers = #tpu.dot_dimension_numbers<[1], [0], [0], [1], [0, 0, 1, 1], [], []>, transpose_lhs_hint = false} : vector<1000x256xf32>, vector<256x256xf32>, vector<1000x256xf32> -> vector<1000x256xf32>
    %mul3A_19 = vector.broadcast %get3A_1 : vector<1000x1xf32> to vector<1000x256xf32>
    %mul3A_20 = arith.mulf %dot_general3A_18, %mul3A_19 : vector<1000x256xf32>
    %slice3A = vector.extract_strided_slice %mul3A_20 {offsets = [0, 0], sizes = [1000, 128], strides = [1, 1]} : vector<1000x256xf32> to vector<1000x128xf32>
    %swap3A = arith.constant 0 : index
    %swap3A_21 = arith.constant 0 : index
    %swap3A_22 = vector.load %arg6[%swap3A, %swap3A_21] : memref<1000x128xf32, #tpu.memory_space<vmem>>, vector<1000x128xf32>
    tpu.vector_store %arg6[%swap3A, %swap3A_21], %slice3A {strides = array<i32>} : memref<1000x128xf32, #tpu.memory_space<vmem>>, vector<1000x128xf32>,
    %slice3A_23 = vector.extract_strided_slice %mul3A_20 {offsets = [0, 128], sizes = [1000, 128], strides = [1, 1]} : vector<1000x256xf32> to vector<1000x128xf32>
    %swap3A_24 = arith.constant 0 : index
    %swap3A_25 = arith.constant 0 : index
    %swap3A_26 = vector.load %arg7[%swap3A_24, %swap3A_25] : memref<1000x128xf32, #tpu.memory_space<vmem>>, vector<1000x128xf32>
    tpu.vector_store %arg7[%swap3A_24, %swap3A_25], %slice3A_23 {strides = array<i32>} : memref<1000x128xf32, #tpu.memory_space<vmem>>, vector<1000x128xf32>,
    return
  }
  func.func @transform_0(%arg0: i32) -> (i32, i32) {
    %c0_i32 = arith.constant 0 : i32
    %c0_i32_0 = arith.constant 0 : i32
    return %arg0, %c0_i32 : i32, i32
  }
  func.func @transform_1(%arg0: i32) -> (i32, i32) {
    %c0_i32 = arith.constant 0 : i32
    %c0_i32_0 = arith.constant 0 : i32
    return %arg0, %c0_i32 : i32, i32
  }
  func.func @transform_2(%arg0: i32) -> (i32, i32) {
    %c0_i32 = arith.constant 0 : i32
    %c0_i32_0 = arith.constant 0 : i32
    return %arg0, %c0_i32 : i32, i32
  }
  func.func @transform_3(%arg0: i32) -> (i32, i32) {
    %c0_i32 = arith.constant 0 : i32
    %c0_i32_0 = arith.constant 0 : i32
    %c0_i32_1 = arith.constant 0 : i32
    return %c0_i32, %c0_i32_0 : i32, i32
  }
  func.func @transform_4(%arg0: i32) -> (i32, i32) {
    %c0_i32 = arith.constant 0 : i32
    %c0_i32_0 = arith.constant 0 : i32
    %c0_i32_1 = arith.constant 0 : i32
    return %c0_i32, %c0_i32_0 : i32, i32
  }
  func.func @transform_5(%arg0: i32) -> (i32, i32) {
    %c0_i32 = arith.constant 0 : i32
    %c0_i32_0 = arith.constant 0 : i32
    return %arg0, %c0_i32 : i32, i32
  }
  func.func @transform_6(%arg0: i32) -> (i32, i32) {
    %c0_i32 = arith.constant 0 : i32
    %c0_i32_0 = arith.constant 0 : i32
    return %arg0, %c0_i32 : i32, i32
  }
}

module attributes {stable_mosaic.version = 14 : i64} {
  func.func @_tail_body(%arg0: i32, %arg1: memref<1000x128xf32, #tpu.memory_space<vmem>>, %arg2: memref<1000x128xf32, #tpu.memory_space<vmem>>, %arg3: memref<1000x1xf32, #tpu.memory_space<vmem>>, %arg4: memref<1x256xf32, #tpu.memory_space<vmem>>, %arg5: memref<256x128xf32, #tpu.memory_space<vmem>>, %arg6: memref<1x128xf32, #tpu.memory_space<vmem>>, %arg7: memref<128x256xf32, #tpu.memory_space<vmem>>, %arg8: memref<1x256xf32, #tpu.memory_space<vmem>>, %arg9: memref<256x10xf32, #tpu.memory_space<vmem>>, %arg10: memref<1x10xf32, #tpu.memory_space<vmem>>, %arg11: memref<1x128xf32, #tpu.memory_space<vmem>>, %arg12: memref<1x10xf32, #tpu.memory_space<vmem>>, %arg13: memref<1x256xf32, #tpu.memory_space<vmem>>) attributes {dimension_semantics = [#tpu.dimension_semantics<arbitrary>], iteration_bounds = array<i64: 10>, scalar_prefetch = 0 : i64, scratch_operands = 1 : i64, tpu.core_type = #tpu.core_type<tc>, window_params = [{transform_indices = @transform_0, window_bounds = array<i64: 1000, 128>}, {transform_indices = @transform_1, window_bounds = array<i64: 1000, 128>}, {transform_indices = @transform_2, window_bounds = array<i64: 1000, 1>}, {pipeline_mode = #tpu.pipeline_mode<synchronous>, transform_indices = @transform_3, window_bounds = array<i64: 1, 256>}, {pipeline_mode = #tpu.pipeline_mode<synchronous>, transform_indices = @transform_4, window_bounds = array<i64: 256, 128>}, {pipeline_mode = #tpu.pipeline_mode<synchronous>, transform_indices = @transform_5, window_bounds = array<i64: 1, 128>}, {pipeline_mode = #tpu.pipeline_mode<synchronous>, transform_indices = @transform_6, window_bounds = array<i64: 128, 256>}, {pipeline_mode = #tpu.pipeline_mode<synchronous>, transform_indices = @transform_7, window_bounds = array<i64: 1, 256>}, {pipeline_mode = #tpu.pipeline_mode<synchronous>, transform_indices = @transform_8, window_bounds = array<i64: 256, 10>}, {pipeline_mode = #tpu.pipeline_mode<synchronous>, transform_indices = @transform_9, window_bounds = array<i64: 1, 10>}, {pipeline_mode = #tpu.pipeline_mode<synchronous>, transform_indices = @transform_10, window_bounds = array<i64: 1, 128>}, {pipeline_mode = #tpu.pipeline_mode<synchronous>, transform_indices = @transform_11, window_bounds = array<i64: 1, 10>}]} {
    %get3A = arith.constant 0 : index
    %get3A_0 = arith.constant 0 : index
    %get3A_1 = vector.load %arg1[%get3A, %get3A_0] : memref<1000x128xf32, #tpu.memory_space<vmem>>, vector<1000x128xf32>
    %get3A_2 = arith.constant 0 : index
    %get3A_3 = arith.constant 0 : index
    %get3A_4 = vector.load %arg2[%get3A_2, %get3A_3] : memref<1000x128xf32, #tpu.memory_space<vmem>>, vector<1000x128xf32>
    %concatenate3A = tpu.concatenate %get3A_1, %get3A_4 in 1 : vector<1000x128xf32>, vector<1000x128xf32> -> vector<1000x256xf32>
    %get3A_5 = arith.constant 0 : index
    %get3A_6 = arith.constant 0 : index
    %get3A_7 = vector.load %arg3[%get3A_5, %get3A_6] : memref<1000x1xf32, #tpu.memory_space<vmem>>, vector<1000x1xf32>
    %mul3A = vector.broadcast %get3A_7 : vector<1000x1xf32> to vector<1000x256xf32>
    %mul3A_8 = arith.mulf %concatenate3A, %mul3A : vector<1000x256xf32>
    %get3A_9 = arith.constant 0 : index
    %get3A_10 = arith.constant 0 : index
    %get3A_11 = vector.load %arg4[%get3A_9, %get3A_10] : memref<1x256xf32, #tpu.memory_space<vmem>>, vector<1x256xf32>
    %add3A = vector.broadcast %get3A_11 : vector<1x256xf32> to vector<1000x256xf32>
    %add3A_12 = arith.addf %mul3A_8, %add3A : vector<1000x256xf32>
    %max3A = arith.constant 0.000000e+00 : f32
    %max3A_13 = vector.broadcast %max3A : f32 to vector<1000x256xf32>
    %max3A_14 = arith.maximumf %add3A_12, %max3A_13 : vector<1000x256xf32>
    %reduce_max3A = arith.constant dense<0xFF800000> : vector<256xf32>
    %reduce_max3A_15 = vector.multi_reduction <maximumf>, %max3A_14, %reduce_max3A [0] : vector<1000x256xf32> to vector<256xf32>
    %broadcast_in_dim3A = vector.shape_cast %reduce_max3A_15 : vector<256xf32> to vector<1x256xf32>
    %eq3A = arith.constant 0 : i32
    %eq3A_16 = arith.cmpi eq, %arg0, %eq3A : i32
    %convert_element_type3A = arith.extui %eq3A_16 : i1 to i32
    %cond3A = arith.constant 0 : i32
    %cond3A_17 = arith.cmpi ne, %convert_element_type3A, %cond3A : i32
    scf.if %cond3A_17 {
      %swap3A = arith.constant 0 : index
      %swap3A_27 = arith.constant 0 : index
      %swap3A_28 = vector.load %arg13[%swap3A, %swap3A_27] : memref<1x256xf32, #tpu.memory_space<vmem>>, vector<1x256xf32>
      tpu.vector_store %arg13[%swap3A, %swap3A_27], %broadcast_in_dim3A {strides = array<i32>} : memref<1x256xf32, #tpu.memory_space<vmem>>, vector<1x256xf32>,
    } else {
    }
    %gt3A = arith.constant 0 : i32
    %gt3A_18 = arith.cmpi sgt, %arg0, %gt3A : i32
    %convert_element_type3A_19 = arith.extui %gt3A_18 : i1 to i32
    %cond3A_20 = arith.constant 0 : i32
    %cond3A_21 = arith.cmpi ne, %convert_element_type3A_19, %cond3A_20 : i32
    scf.if %cond3A_21 {
      %get3A_27 = arith.constant 0 : index
      %get3A_28 = arith.constant 0 : index
      %get3A_29 = vector.load %arg13[%get3A_27, %get3A_28] : memref<1x256xf32, #tpu.memory_space<vmem>>, vector<1x256xf32>
      %max3A_30 = arith.maximumf %get3A_29, %broadcast_in_dim3A : vector<1x256xf32>
      %swap3A = arith.constant 0 : index
      %swap3A_31 = arith.constant 0 : index
      %swap3A_32 = vector.load %arg13[%swap3A, %swap3A_31] : memref<1x256xf32, #tpu.memory_space<vmem>>, vector<1x256xf32>
      tpu.vector_store %arg13[%swap3A, %swap3A_31], %max3A_30 {strides = array<i32>} : memref<1x256xf32, #tpu.memory_space<vmem>>, vector<1x256xf32>,
    } else {
    }
    %eq3A_22 = arith.constant 9 : i32
    %eq3A_23 = arith.cmpi eq, %arg0, %eq3A_22 : i32
    %convert_element_type3A_24 = arith.extui %eq3A_23 : i1 to i32
    %cond3A_25 = arith.constant 0 : i32
    %cond3A_26 = arith.cmpi ne, %convert_element_type3A_24, %cond3A_25 : i32
    scf.if %cond3A_26 {
      %get3A_27 = arith.constant 0 : index
      %get3A_28 = arith.constant 0 : index
      %get3A_29 = vector.load %arg13[%get3A_27, %get3A_28] : memref<1x256xf32, #tpu.memory_space<vmem>>, vector<1x256xf32>
      %get3A_30 = arith.constant 0 : index
      %get3A_31 = arith.constant 0 : index
      %get3A_32 = vector.load %arg5[%get3A_30, %get3A_31] : memref<256x128xf32, #tpu.memory_space<vmem>>, vector<256x128xf32>
      %dot_general3A = arith.constant dense<0.000000e+00> : vector<1x128xf32>
      %dot_general3A_33 = tpu.matmul %get3A_29, %get3A_32, %dot_general3A {dimension_numbers = #tpu.dot_dimension_numbers<[1], [0], [0], [1], [0, 0, 1, 1], [], []>, transpose_lhs_hint = false} : vector<1x256xf32>, vector<256x128xf32>, vector<1x128xf32> -> vector<1x128xf32>
      %get3A_34 = arith.constant 0 : index
      %get3A_35 = arith.constant 0 : index
      %get3A_36 = vector.load %arg6[%get3A_34, %get3A_35] : memref<1x128xf32, #tpu.memory_space<vmem>>, vector<1x128xf32>
      %add3A_37 = arith.addf %dot_general3A_33, %get3A_36 : vector<1x128xf32>
      %swap3A = arith.constant 0 : index
      %swap3A_38 = arith.constant 0 : index
      %swap3A_39 = vector.load %arg11[%swap3A, %swap3A_38] : memref<1x128xf32, #tpu.memory_space<vmem>>, vector<1x128xf32>
      tpu.vector_store %arg11[%swap3A, %swap3A_38], %add3A_37 {strides = array<i32>} : memref<1x128xf32, #tpu.memory_space<vmem>>, vector<1x128xf32>,
      %get3A_40 = arith.constant 0 : index
      %get3A_41 = arith.constant 0 : index
      %get3A_42 = vector.load %arg7[%get3A_40, %get3A_41] : memref<128x256xf32, #tpu.memory_space<vmem>>, vector<128x256xf32>
      %dot_general3A_43 = arith.constant dense<0.000000e+00> : vector<1x256xf32>
      %dot_general3A_44 = tpu.matmul %add3A_37, %get3A_42, %dot_general3A_43 {dimension_numbers = #tpu.dot_dimension_numbers<[1], [0], [0], [1], [0, 0, 1, 1], [], []>, transpose_lhs_hint = false} : vector<1x128xf32>, vector<128x256xf32>, vector<1x256xf32> -> vector<1x256xf32>
      %get3A_45 = arith.constant 0 : index
      %get3A_46 = arith.constant 0 : index
      %get3A_47 = vector.load %arg8[%get3A_45, %get3A_46] : memref<1x256xf32, #tpu.memory_space<vmem>>, vector<1x256xf32>
      %add3A_48 = arith.addf %dot_general3A_44, %get3A_47 : vector<1x256xf32>
      %max3A_49 = arith.constant 0.000000e+00 : f32
      %max3A_50 = vector.broadcast %max3A_49 : f32 to vector<1x256xf32>
      %max3A_51 = arith.maximumf %add3A_48, %max3A_50 : vector<1x256xf32>
      %get3A_52 = arith.constant 0 : index
      %get3A_53 = arith.constant 0 : index
      %get3A_54 = vector.load %arg9[%get3A_52, %get3A_53] : memref<256x10xf32, #tpu.memory_space<vmem>>, vector<256x10xf32>
      %dot_general3A_55 = arith.constant dense<0.000000e+00> : vector<1x10xf32>
      %dot_general3A_56 = tpu.matmul %max3A_51, %get3A_54, %dot_general3A_55 {dimension_numbers = #tpu.dot_dimension_numbers<[1], [0], [0], [1], [0, 0, 1, 1], [], []>, transpose_lhs_hint = false} : vector<1x256xf32>, vector<256x10xf32>, vector<1x10xf32> -> vector<1x10xf32>
      %get3A_57 = arith.constant 0 : index
      %get3A_58 = arith.constant 0 : index
      %get3A_59 = vector.load %arg10[%get3A_57, %get3A_58] : memref<1x10xf32, #tpu.memory_space<vmem>>, vector<1x10xf32>
      %add3A_60 = arith.addf %dot_general3A_56, %get3A_59 : vector<1x10xf32>
      %swap3A_61 = arith.constant 0 : index
      %swap3A_62 = arith.constant 0 : index
      %swap3A_63 = vector.load %arg12[%swap3A_61, %swap3A_62] : memref<1x10xf32, #tpu.memory_space<vmem>>, vector<1x10xf32>
      tpu.vector_store %arg12[%swap3A_61, %swap3A_62], %add3A_60 {strides = array<i32>} : memref<1x10xf32, #tpu.memory_space<vmem>>, vector<1x10xf32>,
    } else {
    }
    return
  }
  func.func @transform_0(%arg0: i32) -> (i32, i32) {
    %c0_i32 = arith.constant 0 : i32
    %c0_i32_0 = arith.constant 0 : i32
    return %arg0, %c0_i32 : i32, i32
  }
  func.func @transform_1(%arg0: i32) -> (i32, i32) {
    %c0_i32 = arith.constant 0 : i32
    %c0_i32_0 = arith.constant 0 : i32
    return %arg0, %c0_i32 : i32, i32
  }
  func.func @transform_2(%arg0: i32) -> (i32, i32) {
    %c0_i32 = arith.constant 0 : i32
    %c0_i32_0 = arith.constant 0 : i32
    return %arg0, %c0_i32 : i32, i32
  }
  func.func @transform_3(%arg0: i32) -> (i32, i32) {
    %c0_i32 = arith.constant 0 : i32
    %c0_i32_0 = arith.constant 0 : i32
    %c0_i32_1 = arith.constant 0 : i32
    return %c0_i32, %c0_i32_0 : i32, i32
  }
  func.func @transform_4(%arg0: i32) -> (i32, i32) {
    %c0_i32 = arith.constant 0 : i32
    %c0_i32_0 = arith.constant 0 : i32
    %c0_i32_1 = arith.constant 0 : i32
    return %c0_i32, %c0_i32_0 : i32, i32
  }
  func.func @transform_5(%arg0: i32) -> (i32, i32) {
    %c0_i32 = arith.constant 0 : i32
    %c0_i32_0 = arith.constant 0 : i32
    %c0_i32_1 = arith.constant 0 : i32
    return %c0_i32, %c0_i32_0 : i32, i32
  }
  func.func @transform_6(%arg0: i32) -> (i32, i32) {
    %c0_i32 = arith.constant 0 : i32
    %c0_i32_0 = arith.constant 0 : i32
    %c0_i32_1 = arith.constant 0 : i32
    return %c0_i32, %c0_i32_0 : i32, i32
  }
  func.func @transform_7(%arg0: i32) -> (i32, i32) {
    %c0_i32 = arith.constant 0 : i32
    %c0_i32_0 = arith.constant 0 : i32
    %c0_i32_1 = arith.constant 0 : i32
    return %c0_i32, %c0_i32_0 : i32, i32
  }
  func.func @transform_8(%arg0: i32) -> (i32, i32) {
    %c0_i32 = arith.constant 0 : i32
    %c0_i32_0 = arith.constant 0 : i32
    %c0_i32_1 = arith.constant 0 : i32
    return %c0_i32, %c0_i32_0 : i32, i32
  }
  func.func @transform_9(%arg0: i32) -> (i32, i32) {
    %c0_i32 = arith.constant 0 : i32
    %c0_i32_0 = arith.constant 0 : i32
    %c0_i32_1 = arith.constant 0 : i32
    return %c0_i32, %c0_i32_0 : i32, i32
  }
  func.func @transform_10(%arg0: i32) -> (i32, i32) {
    %c0_i32 = arith.constant 0 : i32
    %c0_i32_0 = arith.constant 0 : i32
    %c0_i32_1 = arith.constant 0 : i32
    return %c0_i32, %c0_i32_0 : i32, i32
  }
  func.func @transform_11(%arg0: i32) -> (i32, i32) {
    %c0_i32 = arith.constant 0 : i32
    %c0_i32_0 = arith.constant 0 : i32
    %c0_i32_1 = arith.constant 0 : i32
    return %c0_i32, %c0_i32_0 : i32, i32
  }
}

</mosaic_0001>

<sc_bundles>
// kernel: kernel.11.cloned.1.call-start
scs
__scs_entry_jumppad:
0x0: {  	(pc) =	sbr.rel $0x88, $3  }
0x1: {  	(tag) =	ssettag $0x0;
	lr =	simm.s32 $0x1  }
0x2: {  	[smem:$0x3F95] =	sst lr;
	_ =	strace $0xD0000000  }
0x3: {  	_ = 	snop  }
0x4: {  	_ = 	snop  }
0x5: {  	_ = 	snop  }
0x6: {  	_ = 	snop  }
0x7: {  	_ = 	snop  }
__scs_overlays_trampoline_lowered:
0x8: {  	[smem:$0x3FA4] =	sst s0  }
0x9: {  	[smem:$0x3FA5] =	sst s1  }
0xa: {  	[smem:$0x3FA6] =	sst s2  }
0xb: {  	[smem:$0x3FA7] =	sst s3  }
0xc: {  	[smem:$0x3FA8] =	sst s4  }
0xd: {  	[smem:$0x3FA9] =	sst s5  }
0xe: {  	[smem:$0x3FAA] =	sst s6  }
0xf: {  	[smem:$0x3FAB] =	sst s7  }
0x10: {  	[smem:$0x3FAC] =	sst s8  }
0x11: {  	[smem:$0x3FAD] =	sst s9;
	s0 =	simm.s32 @!p0 $0x0  }
0x12: {  	s1 =	sld [smem:$0x3F93];
	s0 =	simm.s32 @p0 $0x1  }
0x13: {  	[smem:$0x3FAE] =	sst s0;
	s0 =	simm.s32 @!p1 $0x0  }
0x14: {  	s2 =	sld [smem:$0x3F92];
	s0 =	simm.s32 @p1 $0x1  }
0x15: {  	[smem:$0x3FAF] =	sst s0;
	s0 =	simm.s32 @!p2 $0x0  }
0x16: {  	s3 =	sld [smem:$0x3FDB];
	s0 =	simm.s32 @p2 $0x1  }
0x17: {  	s4 =	simm.s32 $0x1BF5;
	[smem:$0x3FB1] =	sst s0  }
0x18: {  	s0 =	sld [smem:$0x3F94];
	_ =	swait.ge [sflag:s4], $0x0  }
0x19: {  	s7 =	sld [smem:$0x3F95]  }
0x1a: {  	s8 =	sadd.s32 $0xFFFFE003, lr  }
0x1b: {  	s9 =	sadd.s32 $0xFFFFFEF7, lr;
	s5 =	simm.s32 $0xFFFFFFFF;
	p2 =	slt.u32 s8, $0xFFFFF086  }
0x1c: {  	p1 =	slt.u32 s9, $0xF7A;
	s5 =	simm.s32 @!p2 $0x0  }
0x1d: {  	s5 =	simm.s32 @p1 $0x1;
	p0 =	seq.s32 s7, s2  }
0x1e: {  	s7 =	smul.u32 @!p0 $0xF7A, s2;
	p2 =	seq.s32 @!p0 s5, $0x0  }
0x1f: {  	s9 =	smul.u32 $0xF7A, s1;
	s8 =	simm.s32 @!p0 $0x1BF5;
	p2 =	por !p2, p0  }
0x20: {  	[sflag:s8] =	ssyncset.s32 @!p0 $0xFFFFF086;
	s6 =	sadd.s32 @!p0 s3, s7;
	s7 =	simm.s32 @!p0 $0x108  }
0x21: {  	s3 =	sadd.s32 s3, s9;
	s6 =	sadd.s32 @!p0 $0x88, s6;
	s7 =	simm.s32 @p2 $0x1082  }
0x22: {  	[simem:s7], [sflag:s8] =	dma.local @!p0 [hbm:s6], $0xF7A  }
0x23: {  	s9 =	sor.u32 $0xD0000000, s2;
	s6 =	simm.s32 $0x108;
	_ =	swait.ge @!p0 [sflag:s8], $0x0  }
0x24: {  	s3 =	sadd.s32 $0x88, s3;
	s6 =	simm.s32 @!p1 $0x1082;
	[sflag:s4] =	ssyncset.s32 $0xFFFFF086  }
0x25: {  	[simem:s6], [sflag:s4] =	dma.local [hbm:s3], $0xF7A  }
0x26: {  	[smem:$0x3F95] =	sst s1;
	(tag) =	ssettag s2;
	_ =	strace s9  }
0x27: {  	s1 =	sld [smem:$0x3FA5]  }
0x28: {  	s2 =	sld [smem:$0x3FA6]  }
0x29: {  	s4 =	sld [smem:$0x3FA8]  }
0x2a: {  	p0 =	seq.s32 s5, $0x0;
	s5 =	sld [smem:$0x3FA9]  }
0x2b: {  	s6 =	sld [smem:$0x3FAA]  }
0x2c: {  	s7 =	sld [smem:$0x3FAB]  }
0x2d: {  	s3 =	simm.s32 $0x108;
	s8 =	sld [smem:$0x3FAC]  }
0x2e: {  	s3 =	simm.s32 @!p0 $0x1082;
	s9 =	sld [smem:$0x3FAD]  }
0x2f: {  	lr =	sadd.s32 s0, s3;
	s0 =	sld [smem:$0x3FA4]  }
0x30: {  	s3 =	sld [smem:$0x3FA7]  }
0x31: {  	[smem:$0x3FB0] =	sst s10  }
0x32: {  	s10 =	sld [smem:$0x3FAE];
	_ =	sdelay $0x3  }
0x33: {  	p0 =	seq.s32 s10, $0x1;
	s10 =	sld [smem:$0x3FB0];
	_ =	sdelay $0x3  }
0x34: {  	[smem:$0x3FB0] =	sst s10  }
0x35: {  	s10 =	sld [smem:$0x3FAF];
	_ =	sdelay $0x3  }
0x36: {  	p1 =	seq.s32 s10, $0x1;
	s10 =	sld [smem:$0x3FB0];
	_ =	sdelay $0x3  }
0x37: {  	[smem:$0x3FB0] =	sst s10  }
0x38: {  	s10 =	sld [smem:$0x3FB1]  }
0x39: {  	_ = 	snop;
	(pc) =	sbr.ind lr, $3  }
0x3a: {  	_ = 	snop  }
0x3b: {  	_ = 	snop  }
0x3c: {  	p2 =	seq.s32 s10, $0x1;
	s10 =	sld [smem:$0x3FB0]  }
0x3d: {  	_ =	shalt  }
0x3e: {  	_ =	shalt  }
0x3f: {  	_ =	shalt  }
0x40: {  	_ =	shalt  }
0x41: {  	_ =	shalt  }
0x42: {  	_ =	shalt  }
0x43: {  	_ =	shalt  }
0x44: {  	_ =	shalt  }
0x45: {  	_ =	shalt  }
0x46: {  	_ =	shalt  }
0x47: {  	_ =	shalt  }
0x48: {  	_ =	shalt  }
0x49: {  	_ =	shalt  }
0x4a: {  	_ =	shalt  }
0x4b: {  	_ =	shalt  }
0x4c: {  	_ =	shalt  }
0x4d: {  	_ =	shalt  }
0x4e: {  	_ =	shalt  }
0x4f: {  	_ =	shalt  }
0x50: {  	_ =	shalt  }
0x51: {  	_ =	shalt  }
0x52: {  	_ =	shalt  }
0x53: {  	_ =	shalt  }
0x54: {  	_ =	shalt  }
0x55: {  	_ =	shalt  }
0x56: {  	_ =	shalt  }
0x57: {  	_ =	shalt  }
0x58: {  	_ =	shalt  }
0x59: {  	_ =	shalt  }
0x5a: {  	_ =	shalt  }
0x5b: {  	_ =	shalt  }
0x5c: {  	_ =	shalt  }
0x5d: {  	_ =	shalt  }
0x5e: {  	_ =	shalt  }
0x5f: {  	_ =	shalt  }
0x60: {  	_ =	shalt  }
0x61: {  	_ =	shalt  }
0x62: {  	_ =	shalt  }
0x63: {  	_ =	shalt  }
0x64: {  	_ =	shalt  }
0x65: {  	_ =	shalt  }
0x66: {  	_ =	shalt  }
0x67: {  	_ =	shalt  }
0x68: {  	_ =	shalt  }
0x69: {  	_ =	shalt  }
0x6a: {  	_ =	shalt  }
0x6b: {  	_ =	shalt  }
0x6c: {  	_ =	shalt  }
0x6d: {  	_ =	shalt  }
0x6e: {  	_ =	shalt  }
0x6f: {  	_ =	shalt  }
0x70: {  	_ =	shalt  }
0x71: {  	_ =	shalt  }
0x72: {  	_ =	shalt  }
0x73: {  	_ =	shalt  }
0x74: {  	_ =	shalt  }
0x75: {  	_ =	shalt  }
0x76: {  	_ =	shalt  }
0x77: {  	_ =	shalt  }
0x78: {  	_ =	shalt  }
0x79: {  	_ =	shalt  }
0x7a: {  	_ =	shalt  }
0x7b: {  	_ =	shalt  }
0x7c: {  	_ =	shalt  }
0x7d: {  	_ =	shalt  }
0x7e: {  	_ =	shalt  }
0x7f: {  	_ =	shalt  }
0x80: {  	_ =	shalt  }
0x81: {  	_ =	shalt  }
0x82: {  	_ =	shalt  }
0x83: {  	_ =	shalt  }
0x84: {  	_ =	shalt  }
0x85: {  	_ =	shalt  }
0x86: {  	_ =	shalt  }
0x87: {  	_ =	shalt  }
.Lfunc_end0:
.L_simem_size_0:
called_computation.1_lowered:
.L_overlay_start_0:
0x88: {  	s2 =	sld [smem:$0x3FD9]  }
0x89: {  	s3 =	sld [smem:$0x3FFE];
	_ =	sdelay $0x1  }
0x8a: {  	s1 =	srdreg.scid  }
0x8b: {  	s0 =	sand.u32 $0x1, s1  }
0x8c: {  	s16 =	sshll.u32 s0, $0xA;
	s2 =	sadd.s32 s3, s2  }
0x8d: {  	s2 =	sadd.s32 s2, s16  }
0x8e: {  	[smem:$0x3FBC] =	sst s2  }
0x8f: {  	_ = 	snop  }
0x90: {  	(tm) =	ssettm $0x1  }
0x91: {  	s17 =	sld [smem:$0x3FFB];
	_ =	sdelay $0x3  }
0x92: {  	_ =	strace s17  }
0x93: {  	s2 =	sld [smem:$0x3FFC];
	_ =	sdelay $0x3  }
0x94: {  	_ =	strace s2  }
0x95: {  	s2 =	sld [smem:$0x3FFD];
	_ =	sdelay $0x3  }
0x96: {  	_ =	strace s2  }
0x97: {  	_ =	strace $0x8FFFFFFF  }
0x98: {  	s18 =	sld [smem:$0x3FDB];
	_ =	sdelay $0x1  }
0x99: {  	s19 =	simm.s32 $_scs_section_size  }
0x9a: {  	s4 =	simm.s32 $_size__tile_overlayer_lowered;
	s5 =	simm.s32 $_tile_overlayer_lowered  }
0x9b: {  	s22 =	simm.s32 $0x1BFF;
	s21 =	sshll.u32 s5, $0x1;
	s2 =	sadd.s32 s19, s18  }
0x9c: {  	s6 =	simm.s32 $0x0;
	s20 =	sshll.u32 s4, $0x1;
	s4 =	sadd.s32 s21, s2  }
0x9d: {  	[timem:s6], [sflag:s22] =	dma.local [hbm:s4], s20  }
0x9e: {  	_ =	swait.ge [sflag:s22], s20  }
0x9f: {  	s3 =	ssub.s32 $0x0, s20;
	[sflag:s22] =	ssyncset.done $0x0  }
0xa0: {  	[sflag:s22] =	ssyncadd.s32 s3;
	_ =	sdelay $0x1  }
0xa1: {  	s23 =	simm.s32 $0x1B8B  }
0xa2: {  	_ =	swait.ge [sflag:s23], $0x1  }
0xa3: {  	[sflag:s23] =	ssyncset.done $0x0  }
0xa4: {  	s25 =	simm.s32 $0x1B8E;
	s24 =	sld [smem:$0x3FFE];
	[sflag:s23] =	ssyncadd.s32 $0xFFFFFFFF  }
0xa5: {  	s26 =	simm.s32 $execute0_lowered;
	[smem:$0x3FD2] =	sst s25  }
0xa6: {  	s4 =	sshll.u32 s26, $0x1;
	_ =	strace $0x80000049;
	[dreg:$0x1] =	wrdreg $0xFFFFFFFF  }
0xa7: {  	s28 =	simm.s32 $_size_execute0_lowered;
	s2 =	sadd.s32 s2, s4;
	[dreg:$0x0] =	wrdreg $0x0  }
0xa8: {  	s4 =	sshll.u32 s28, $0x1;
	[dreg:$0x2] =	wrdreg s2  }
0xa9: {  	[dreg:$0x3] =	wrdreg s4  }
0xaa: {  	[dreg:$0x4] =	wrdreg $0xC0  }
0xab: {  	_ =	task [dreg:s6], $0x5FFFF  }
0xac: {  	[dreg:$0x1] =	wrdreg $0xFFFFFFFF  }
0xad: {  	[dreg:$0x0] =	wrdreg $0x60  }
0xae: {  	[dreg:$0x2] =	wrdreg s24  }
0xaf: {  	[dreg:$0x3] =	wrdreg $0x77000  }
0xb0: {  	[dreg:$0x4] =	wrdreg $0x9  }
0xb1: {  	_ =	task.clear_ibuf [dreg:s6], $0x5FFFF;
	_ =	strace $0x90000049  }
0xb2: {  	s29 =	simm.s32 $0x9;
	_ =	strace $0x8000004B  }
0xb3: {  	_ =	swait.ge [sflag:s29], $0x1  }
0xb4: {  	[sflag:s29] =	ssyncadd.s32 $0xFFFFFFFF  }
0xb5: {  	_ =	strace $0x9000004B  }
0xb6: {  	_ =	sfence  }
0xb7: {  	s30 =	sld [smem:$0x0];
	_ =	sdelay $0x2  }
0xb8: {  	s31 =	sshll.u32 s1, $0xD;
	s1 =	sshrl.u32 s1, $0x2  }
0xb9: {  	s3 =	sand.u32 $0x4000, s31;
	s1 =	sadd.s32 s1, s30  }
0xba: {  	s0 =	sor.u32 s3, s0;
	s1 =	sshll.u32 s1, $0x11  }
0xbb: {  	s0 =	sor.u32 s1, s0  }
0xbc: {  	s0 =	sadd.s32 $0x8F2B, s0  }
0xbd: {  	[sflag:s0] =	ssyncadd.remote.s32 $0x1  }
0xbe: {  	_ =	sfence.sel $0xFFFF  }
0xbf: {  	[dreg:$0x0] =	wrdreg $0xFFFFFFFF;
	(pc) =	sbr.abs _section_cstart, $3  }
0xc0: {  	[dreg:$0x1] =	wrdreg $0xFFFFFFFF  }
0xc1: {  	_ =	task.clear_ibuf [dreg:s6], $0x2FFFF;
	_ =	strace $0x9FFFFFFF  }
0xc2: {  	(tm) =	ssettm $0x7FFFFFFF  }
0xc3: {  	_ =	shalt  }
tec
execute0_lowered:
.L_overlay_start_1:
0x0: {  	(tag) =	ssettag $0x1  }
0x1: {  	s0 =	rddreg [dreg:$0x0]  }
0x2: {  	s2 =	rddreg [dreg:$0x1];
	s3 =	simm.s32 $0x0  }
0x3: {  	s1 =	stileid.u32;
	s5 =	srdreg.scid;
	s20 =	simm.s32 $0x3  }
0x4: {  	s21 =	simm.s32 $0x2780;
	s22 =	simm.s32 $0x28;
	s23 =	simm.s32 $0x4F00  }
0x5: {  	s24 =	simm.s32 $0x6300;
	s25 =	simm.s32 $0x1;
	s28 =	simm.s32 $0x26E8  }
0x6: {  	s29 =	simm.s32 $0x4E40;
	s30 =	simm.s32 $0x4E68;
	s4 =	smul.u32 $0x4E2, s1  }
0x7: {  	[smem:$0x7FF] =	sst s3;
	s12 =	smul.u32 $0x2780, s1;
	s6 =	sand.u32 $0x1, s5  }
0x8: {  	s7 =	smul.u32 $0x4F000, s1;
	s5 =	sadd.s32 $0x35800, s0;
	s17 =	sadd.s32 $0x128400, s2  }
0x9: {  	s31 =	sadd.s32 $0x33680, s0;
	s11 =	sadd.s32 $0xA8C80, s0;
	s13 =	sadd.s32 $0x5A880, s0  }
0xa: {  	s15 =	sadd.s32 $0xCFE80, s0;
	p1 =	seq.s32 s1, $0xF;
	_ =	strace $0x8000004A  }
0xb: {  	s8 =	ssub.s32 $0x2, s6;
	p0 =	seq.s32 s6, $0x1;
	[dreg:$0x4] =	wrdreg s31  }
0xc: {  	s17 =	sshrl.u32 @p1 s17, $0x3;
	s9 =	sadd.s32 s4, s0;
	s4 =	sadd.s32 $0xE600, s0  }
0xd: {  	s14 =	sadd.s32 s12, s0;
	s10 =	sshrl.u32 s8, $0x1;
	s7 =	sshrl.u32 s7, $0x2  }
.Ltmp0:
0xe: {  	s0 =	sshll.u32 @!p1 s1, $0x6;
	s16 =	ssub.s32 s8, s10;
	(pc) =	sbr.rel .LBB2_1-.Ltmp0, $4  }
0xf: {  	s19 =	sadd.s32 s7, s2;
	s26 =	sadd.s32 s4, s12;
	s8 =	sadd.s32 $0x9600, s9  }
0x10: {  	s9 =	sadd.s32 $0x4600, s9;
	s10 =	sadd.s32 $0x83C00, s14;
	s12 =	sadd.s32 s5, s12  }
0x11: {  	s14 =	sadd.s32 $0xAAE00, s14;
	s18 =	sor.u32 @!p1 $0x1C03, s0;
	[dreg:$0x3] =	wrdreg s26  }
0x12: {  	s16 =	smax.u32 s16, $0x1;
	s19 =	sshrl.u32 @!p1 s19, $0x3;
	s26 =	simm.s32 $0x2  }
.LBB2_7:
0x13: {  	s0 =	sadd.s32 $0x28, s31;
	[sflag:s20] =	ssyncadd.s32 $0xFFFFEC00  }
0x14: {  	[tilespmem:s24], [sflag:$0x2] =	stream.indirect.gather [hbm4b:s5+s22], $0x80, s0, s22, $0xb8;
	[tilespmem:$0x1AF80] =	vst v63  }
0x15: {  	_ =	swait.ge [sflag:s25], $0x1400  }
0x16: {  	[sflag:s25] =	ssyncset.done $0x0  }
0x17: {  	s6 =	sadd.s32 $0x2780, s31;
	[sflag:s25] =	ssyncadd.s32 $0xFFFFEC00  }
0x18: {  	[spmem:s2] =	stream.indirect.scatter.add.f32 [tilespmem:s23], [sflag:$0x3], $0x80, s6, s22, $0xb8;
	[tilespmem:$0x1AF80] =	vst v63  }
0x19: {  	_ =	swait.ge [sflag:s20], $0x1400  }
0x1a: {  	[sflag:s20] =	ssyncset.done $0x0  }
0x1b: {  	s7 =	sadd.s32 $0x50, s31;
	[sflag:s20] =	ssyncadd.s32 $0xFFFFEC00  }
0x1c: {  	[tilespmem:s23], [sflag:$0x1] =	stream.indirect.gather [hbm4b:s5+s22], $0x80, s7, s22, $0xb8;
	[tilespmem:$0x1AF80] =	vst v63  }
0x1d: {  	_ =	swait.ge [sflag:s26], $0x1400  }
0x1e: {  	[sflag:s26] =	ssyncset.done $0x0  }
0x1f: {  	s31 =	sadd.s32 $0x27A8, s31;
	[sflag:s26] =	ssyncadd.s32 $0xFFFFEC00  }
0x20: {  	[spmem:s2] =	stream.indirect.scatter.add.f32 [tilespmem:s24], [sflag:$0x3], $0x80, s31, s22, $0xb8;
	[tilespmem:$0x1AF80] =	vst v63  }
0x21: {  	_ =	swait.ge [sflag:s20], $0x1400  }
0x22: {  	[sflag:s20] =	ssyncset.done $0x0  }
0x23: {  	[sflag:s20] =	ssyncadd.s32 $0xFFFFEC00  }
0x24: {  	[tilespmem:s24], [sflag:$0x2] =	stream.indirect.gather [hbm4b:s5+s22], $0x80, s28, s22, $0xb8;
	[tilespmem:$0x1AF80] =	vst v63  }
0x25: {  	_ =	swait.ge [sflag:s25], $0x1400  }
0x26: {  	[sflag:s25] =	ssyncset.done $0x0  }
0x27: {  	[sflag:s25] =	ssyncadd.s32 $0xFFFFEC00  }
0x28: {  	[spmem:s2] =	stream.indirect.scatter.add.f32 [tilespmem:s23], [sflag:$0x3], $0x80, s29, s22, $0xb8;
	[tilespmem:$0x1AF80] =	vst v63  }
0x29: {  	_ =	swait.ge [sflag:s20], $0x1400  }
0x2a: {  	[sflag:s20] =	ssyncset.done $0x0  }
0x2b: {  	[sflag:s20] =	ssyncadd.s32 $0xFFFFEC00  }
0x2c: {  	_ =	swait.ge [sflag:s26], $0x1400  }
0x2d: {  	[sflag:s26] =	ssyncset.done $0x0  }
0x2e: {  	[sflag:s26] =	ssyncadd.s32 $0xFFFFEC00  }
0x2f: {  	[spmem:s2] =	stream.indirect.scatter.add.f32 [tilespmem:s24], [sflag:$0x3], $0x80, s30, s22, $0xb8;
	[tilespmem:$0x1AF80] =	vst v63  }
0x30: {  	_ =	swait.ge [sflag:s20], $0x1400  }
0x31: {  	[sflag:s20] =	ssyncset.done $0x0  }
0x32: {  	[sflag:s20] =	ssyncadd.s32 $0xFFFFEC00  }
0x33: {  	s0 =	simm.s32 @p1 $0x1FC3;
	[bflag:$0x0] =	sbarrier.arrive $0xFFFF  }
0x34: {  	[hbm:s15], [sflag:s0] =	dma.local @p1 [spmem:s17], $0x2080  }
0x35: {  	s0 =	simm.s32 @p1 $0x3  }
0x36: {  	_ =	swait.ge @p1 [sflag:s0], $0x2080  }
0x37: {  	[sflag:s0] =	ssyncset.done @p1 $0x0  }
0x38: {  	[sflag:s0] =	ssyncadd.s32 @p1 $0xFFFFDF80;
	s0 =	simm.s32 @!p1 $0x3  }
0x39: {  	[hbm:s14], [sflag:s18] =	dma.local @!p1 [spmem:s19], $0x2780  }
0x3a: {  	_ =	swait.ge @!p1 [sflag:s0], $0x2780  }
0x3b: {  	[sflag:s0] =	ssyncset.done @!p1 $0x0  }
0x3c: {  	[sflag:s0] =	ssyncadd.s32 @!p1 $0xFFFFD880  }
.LBB2_8:
0x3d: {  	s3 =	sadd.s32 $0x1, s3  }
0x3e: {  	p2 =	sne.s32 s3, s16  }
.Ltmp1:
0x3f: {  	_ = 	snop;
	(pc) =	sbr.rel @!p2 .LBB2_9-.Ltmp1, $1  }
0x40: {  	_ =	sdelay $0x3  }
.LBB2_1:
.Ltmp2:
0x41: {  	(pc) =	sbr.rel @!p0 .LBB2_2-.Ltmp2, $1  }
0x42: {  	_ =	sdelay $0x3  }
0x43: {  	s0 =	simm.s32 @p1 $0x1FC3  }
0x44: {  	[spmem:s17], [sflag:s0] =	dma.local @p1 [hbm:s13], $0x2080  }
0x45: {  	s0 =	simm.s32 @p1 $0x3  }
0x46: {  	_ =	swait.ge @p1 [sflag:s0], $0x2080  }
0x47: {  	[sflag:s0] =	ssyncset.done @p1 $0x0  }
0x48: {  	[sflag:s0] =	ssyncadd.s32 @p1 $0xFFFFDF80;
	s0 =	simm.s32 @!p1 $0x3  }
0x49: {  	[spmem:s19], [sflag:s18] =	dma.local @!p1 [hbm:s12], $0x2780  }
0x4a: {  	_ =	swait.ge @!p1 [sflag:s0], $0x2780  }
0x4b: {  	[sflag:s0] =	ssyncset.done @!p1 $0x0  }
0x4c: {  	s6 =	simm.s32 $0x0;
	[sflag:s0] =	ssyncadd.s32 @!p1 $0xFFFFD880  }
0x4d: {  	[tilespmem:s6], [sflag:$0x3] =	stream.linear.gather [hbm4b:s8+s6], $0x2710, $0x38;
	[tilespmem:$0x1AF80] =	vst v63  }
0x4e: {  	_ =	swait.ge [sflag:s20], $0x2710  }
0x4f: {  	[sflag:s20] =	ssyncset.done $0x0  }
0x50: {  	[sflag:s20] =	ssyncadd.s32 $0xFFFFD8F0  }
0x51: {  	[tilespmem:s21], [sflag:$0x3] =	stream.linear.gather [hbm4b:s9+s6], $0x2710, $0x38;
	[tilespmem:$0x1AF80] =	vst v63  }
0x52: {  	_ =	swait.ge [sflag:s20], $0x2710  }
0x53: {  	[sflag:s20] =	ssyncset.done $0x0  }
0x54: {  	[sflag:s20] =	ssyncadd.s32 $0xFFFFD8F0  }
0x55: {  	[bflag:$0x0] =	sbarrier.arrive $0xFFFF  }
0x56: {  	[tilespmem:s23], [sflag:$0x1] =	stream.indirect.gather [hbm4b:s5+s22], $0x80, s6, s22, $0xb8;
	[tilespmem:$0x1AF80] =	vst v63  }
0x57: {  	s7 =	simm.s32 $0x28  }
0x58: {  	[tilespmem:s24], [sflag:$0x2] =	stream.indirect.gather [hbm4b:s5+s22], $0x80, s7, s22, $0xb8;
	[tilespmem:$0x1AF80] =	vst v63  }
0x59: {  	_ =	swait.ge [sflag:s25], $0x1400  }
0x5a: {  	[sflag:s25] =	ssyncset.done $0x0  }
0x5b: {  	s1 =	simm.s32 $0x2780;
	[sflag:s25] =	ssyncadd.s32 $0xFFFFEC00  }
0x5c: {  	[spmem:s2] =	stream.indirect.scatter.add.f32 [tilespmem:s23], [sflag:$0x3], $0x80, s1, s22, $0xb8;
	[tilespmem:$0x1AF80] =	vst v63  }
0x5d: {  	_ =	swait.ge [sflag:s20], $0x1400  }
0x5e: {  	[sflag:s20] =	ssyncset.done $0x0  }
0x5f: {  	s6 =	simm.s32 $0x50;
	[sflag:s20] =	ssyncadd.s32 $0xFFFFEC00  }
0x60: {  	[tilespmem:s23], [sflag:$0x1] =	stream.indirect.gather [hbm4b:s5+s22], $0x80, s6, s22, $0xb8;
	[tilespmem:$0x1AF80] =	vst v63  }
0x61: {  	_ =	swait.ge [sflag:s26], $0x1400  }
0x62: {  	[sflag:s26] =	ssyncset.done $0x0  }
0x63: {  	s7 =	simm.s32 $0x27A8;
	[sflag:s26] =	ssyncadd.s32 $0xFFFFEC00  }
0x64: {  	[spmem:s2] =	stream.indirect.scatter.add.f32 [tilespmem:s24], [sflag:$0x3], $0x80, s7, s22, $0xb8;
	[tilespmem:$0x1AF80] =	vst v63  }
0x65: {  	_ =	swait.ge [sflag:s20], $0x1400  }
0x66: {  	s31 =	simm.s32 $0x50;
	s0 =	simm.s32 $0x280;
	[sflag:s20] =	ssyncset.done $0x0  }
.LBB2_6:
0x67: {  	s1 =	sadd.s32 $0x28, s31  }
0x68: {  	[sflag:s20] =	ssyncadd.s32 $0xFFFFEC00;
	s6 =	smov.u32 s0;
	s7 =	sadd.s32 $0x140, s0  }
0x69: {  	[tilespmem:s24], [sflag:$0x2] =	stream.indirect.gather [hbm4b:s5+s22], $0x80, s1, s22, $0xb8;
	[tilespmem:$0x1AF80] =	vst v63  }
0x6a: {  	p2 =	sne.s32 s0, $0x99C0;
	_ =	swait.ge [sflag:s25], $0x1400  }
0x6b: {  	[sflag:s25] =	ssyncset.done $0x0  }
0x6c: {  	s0 =	sadd.s32 $0x2780, s31;
	[sflag:s25] =	ssyncadd.s32 $0xFFFFEC00  }
0x6d: {  	[spmem:s2] =	stream.indirect.scatter.add.f32 [tilespmem:s23], [sflag:$0x3], $0x80, s0, s22, $0xb8;
	[tilespmem:$0x1AF80] =	vst v63  }
0x6e: {  	_ =	swait.ge [sflag:s20], $0x1400  }
0x6f: {  	[sflag:s20] =	ssyncset.done $0x0  }
0x70: {  	s0 =	sadd.s32 $0x50, s31;
	[sflag:s20] =	ssyncadd.s32 $0xFFFFEC00  }
0x71: {  	[tilespmem:s23], [sflag:$0x1] =	stream.indirect.gather [hbm4b:s5+s22], $0x80, s0, s22, $0xb8;
	[tilespmem:$0x1AF80] =	vst v63  }
0x72: {  	_ =	swait.ge [sflag:s26], $0x1400  }
.Ltmp3:
0x73: {  	[sflag:s26] =	ssyncset.done $0x0;
	(pc) =	sbr.rel @p2 .LBB2_6-.Ltmp3, $4  }
0x74: {  	s0 =	sadd.s32 $0x27A8, s31;
	[sflag:s26] =	ssyncadd.s32 $0xFFFFEC00  }
0x75: {  	[spmem:s2] =	stream.indirect.scatter.add.f32 [tilespmem:s24], [sflag:$0x3], $0x80, s0, s22, $0xb8;
	[tilespmem:$0x1AF80] =	vst v63  }
0x76: {  	_ =	swait.ge [sflag:s20], $0x1400  }
0x77: {  	s31 =	sshra.s32 s6, $0x2;
	s0 =	smov.u32 s7;
	[sflag:s20] =	ssyncset.done $0x0  }
.Ltmp4:
0x78: {  	_ = 	snop;
	(pc) =	sbr.rel .LBB2_7-.Ltmp4, $1  }
0x79: {  	_ =	sdelay $0x3  }
.LBB2_2:
0x7a: {  	s0 =	simm.s32 @p1 $0x1FC3;
	s1 =	rddreg [dreg:$0x4]  }
0x7b: {  	[spmem:s17], [sflag:s0] =	dma.local @p1 [hbm:s1], $0x2080  }
0x7c: {  	s0 =	simm.s32 @p1 $0x3  }
0x7d: {  	_ =	swait.ge @p1 [sflag:s0], $0x2080  }
0x7e: {  	[sflag:s0] =	ssyncset.done @p1 $0x0  }
0x7f: {  	[sflag:s0] =	ssyncadd.s32 @p1 $0xFFFFDF80;
	s0 =	rddreg [dreg:$0x3]  }
0x80: {  	[spmem:s19], [sflag:s18] =	dma.local @!p1 [hbm:s0], $0x2780  }
0x81: {  	s0 =	simm.s32 @!p1 $0x3  }
0x82: {  	_ =	swait.ge @!p1 [sflag:s0], $0x2780  }
0x83: {  	[sflag:s0] =	ssyncset.done @!p1 $0x0  }
0x84: {  	s6 =	simm.s32 $0x0;
	[sflag:s0] =	ssyncadd.s32 @!p1 $0xFFFFD880  }
0x85: {  	[tilespmem:s6], [sflag:$0x3] =	stream.linear.gather [hbm4b:s8+s6], $0x2710, $0x38;
	[tilespmem:$0x1AF80] =	vst v63  }
0x86: {  	_ =	swait.ge [sflag:s20], $0x2710  }
0x87: {  	[sflag:s20] =	ssyncset.done $0x0  }
0x88: {  	[sflag:s20] =	ssyncadd.s32 $0xFFFFD8F0  }
0x89: {  	[tilespmem:s21], [sflag:$0x3] =	stream.linear.gather [hbm4b:s9+s6], $0x2710, $0x38;
	[tilespmem:$0x1AF80] =	vst v63  }
0x8a: {  	_ =	swait.ge [sflag:s20], $0x2710  }
0x8b: {  	[sflag:s20] =	ssyncset.done $0x0  }
0x8c: {  	[sflag:s20] =	ssyncadd.s32 $0xFFFFD8F0  }
0x8d: {  	[bflag:$0x0] =	sbarrier.arrive $0xFFFF  }
0x8e: {  	[tilespmem:s23], [sflag:$0x1] =	stream.indirect.gather [hbm4b:s4+s22], $0x80, s6, s22, $0xb8;
	[tilespmem:$0x1AF80] =	vst v63  }
0x8f: {  	s7 =	simm.s32 $0x28  }
0x90: {  	[tilespmem:s24], [sflag:$0x2] =	stream.indirect.gather [hbm4b:s4+s22], $0x80, s7, s22, $0xb8;
	[tilespmem:$0x1AF80] =	vst v63  }
0x91: {  	_ =	swait.ge [sflag:s25], $0x1400  }
0x92: {  	[sflag:s25] =	ssyncset.done $0x0  }
0x93: {  	s1 =	simm.s32 $0x2780;
	[sflag:s25] =	ssyncadd.s32 $0xFFFFEC00  }
0x94: {  	[spmem:s2] =	stream.indirect.scatter.add.f32 [tilespmem:s23], [sflag:$0x3], $0x80, s1, s22, $0xb8;
	[tilespmem:$0x1AF80] =	vst v63  }
0x95: {  	_ =	swait.ge [sflag:s20], $0x1400  }
0x96: {  	[sflag:s20] =	ssyncset.done $0x0  }
0x97: {  	s6 =	simm.s32 $0x50;
	[sflag:s20] =	ssyncadd.s32 $0xFFFFEC00  }
0x98: {  	[tilespmem:s23], [sflag:$0x1] =	stream.indirect.gather [hbm4b:s4+s22], $0x80, s6, s22, $0xb8;
	[tilespmem:$0x1AF80] =	vst v63  }
0x99: {  	_ =	swait.ge [sflag:s26], $0x1400  }
0x9a: {  	[sflag:s26] =	ssyncset.done $0x0  }
0x9b: {  	s7 =	simm.s32 $0x27A8;
	[sflag:s26] =	ssyncadd.s32 $0xFFFFEC00  }
0x9c: {  	[spmem:s2] =	stream.indirect.scatter.add.f32 [tilespmem:s24], [sflag:$0x3], $0x80, s7, s22, $0xb8;
	[tilespmem:$0x1AF80] =	vst v63  }
0x9d: {  	_ =	swait.ge [sflag:s20], $0x1400  }
0x9e: {  	s31 =	simm.s32 $0x50;
	s0 =	simm.s32 $0x280;
	[sflag:s20] =	ssyncset.done $0x0  }
.LBB2_3:
0x9f: {  	s1 =	sadd.s32 $0x28, s31  }
0xa0: {  	[sflag:s20] =	ssyncadd.s32 $0xFFFFEC00;
	s6 =	smov.u32 s0;
	s7 =	sadd.s32 $0x140, s0  }
0xa1: {  	[tilespmem:s24], [sflag:$0x2] =	stream.indirect.gather [hbm4b:s4+s22], $0x80, s1, s22, $0xb8;
	[tilespmem:$0x1AF80] =	vst v63  }
0xa2: {  	p2 =	sne.s32 s0, $0x99C0;
	_ =	swait.ge [sflag:s25], $0x1400  }
0xa3: {  	[sflag:s25] =	ssyncset.done $0x0  }
0xa4: {  	s0 =	sadd.s32 $0x2780, s31;
	[sflag:s25] =	ssyncadd.s32 $0xFFFFEC00  }
0xa5: {  	[spmem:s2] =	stream.indirect.scatter.add.f32 [tilespmem:s23], [sflag:$0x3], $0x80, s0, s22, $0xb8;
	[tilespmem:$0x1AF80] =	vst v63  }
0xa6: {  	_ =	swait.ge [sflag:s20], $0x1400  }
0xa7: {  	[sflag:s20] =	ssyncset.done $0x0  }
0xa8: {  	s0 =	sadd.s32 $0x50, s31;
	[sflag:s20] =	ssyncadd.s32 $0xFFFFEC00  }
0xa9: {  	[tilespmem:s23], [sflag:$0x1] =	stream.indirect.gather [hbm4b:s4+s22], $0x80, s0, s22, $0xb8;
	[tilespmem:$0x1AF80] =	vst v63  }
0xaa: {  	_ =	swait.ge [sflag:s26], $0x1400  }
.Ltmp5:
0xab: {  	[sflag:s26] =	ssyncset.done $0x0;
	(pc) =	sbr.rel @p2 .LBB2_3-.Ltmp5, $4  }
0xac: {  	s0 =	sadd.s32 $0x27A8, s31;
	[sflag:s26] =	ssyncadd.s32 $0xFFFFEC00  }
0xad: {  	[spmem:s2] =	stream.indirect.scatter.add.f32 [tilespmem:s24], [sflag:$0x3], $0x80, s0, s22, $0xb8;
	[tilespmem:$0x1AF80] =	vst v63  }
0xae: {  	_ =	swait.ge [sflag:s20], $0x1400  }
0xaf: {  	s31 =	sshra.s32 s6, $0x2;
	s0 =	smov.u32 s7;
	[sflag:s20] =	ssyncset.done $0x0  }
0xb0: {  	s0 =	sadd.s32 $0x28, s31;
	[sflag:s20] =	ssyncadd.s32 $0xFFFFEC00  }
0xb1: {  	[tilespmem:s24], [sflag:$0x2] =	stream.indirect.gather [hbm4b:s4+s22], $0x80, s0, s22, $0xb8;
	[tilespmem:$0x1AF80] =	vst v63  }
0xb2: {  	_ =	swait.ge [sflag:s25], $0x1400  }
0xb3: {  	[sflag:s25] =	ssyncset.done $0x0  }
0xb4: {  	s6 =	sadd.s32 $0x2780, s31;
	[sflag:s25] =	ssyncadd.s32 $0xFFFFEC00  }
0xb5: {  	[spmem:s2] =	stream.indirect.scatter.add.f32 [tilespmem:s23], [sflag:$0x3], $0x80, s6, s22, $0xb8;
	[tilespmem:$0x1AF80] =	vst v63  }
0xb6: {  	_ =	swait.ge [sflag:s20], $0x1400  }
0xb7: {  	[sflag:s20] =	ssyncset.done $0x0  }
0xb8: {  	s7 =	sadd.s32 $0x50, s31;
	[sflag:s20] =	ssyncadd.s32 $0xFFFFEC00  }
0xb9: {  	[tilespmem:s23], [sflag:$0x1] =	stream.indirect.gather [hbm4b:s4+s22], $0x80, s7, s22, $0xb8;
	[tilespmem:$0x1AF80] =	vst v63  }
0xba: {  	_ =	swait.ge [sflag:s26], $0x1400  }
0xbb: {  	[sflag:s26] =	ssyncset.done $0x0  }
0xbc: {  	s31 =	sadd.s32 $0x27A8, s31;
	[sflag:s26] =	ssyncadd.s32 $0xFFFFEC00  }
0xbd: {  	[spmem:s2] =	stream.indirect.scatter.add.f32 [tilespmem:s24], [sflag:$0x3], $0x80, s31, s22, $0xb8;
	[tilespmem:$0x1AF80] =	vst v63  }
0xbe: {  	_ =	swait.ge [sflag:s20], $0x1400  }
0xbf: {  	[sflag:s20] =	ssyncset.done $0x0  }
0xc0: {  	[sflag:s20] =	ssyncadd.s32 $0xFFFFEC00  }
0xc1: {  	[tilespmem:s24], [sflag:$0x2] =	stream.indirect.gather [hbm4b:s4+s22], $0x80, s28, s22, $0xb8;
	[tilespmem:$0x1AF80] =	vst v63  }
0xc2: {  	_ =	swait.ge [sflag:s25], $0x1400  }
0xc3: {  	[sflag:s25] =	ssyncset.done $0x0  }
0xc4: {  	[sflag:s25] =	ssyncadd.s32 $0xFFFFEC00  }
0xc5: {  	[spmem:s2] =	stream.indirect.scatter.add.f32 [tilespmem:s23], [sflag:$0x3], $0x80, s29, s22, $0xb8;
	[tilespmem:$0x1AF80] =	vst v63  }
0xc6: {  	_ =	swait.ge [sflag:s20], $0x1400  }
0xc7: {  	[sflag:s20] =	ssyncset.done $0x0  }
0xc8: {  	[sflag:s20] =	ssyncadd.s32 $0xFFFFEC00  }
0xc9: {  	_ =	swait.ge [sflag:s26], $0x1400  }
0xca: {  	[sflag:s26] =	ssyncset.done $0x0  }
0xcb: {  	[sflag:s26] =	ssyncadd.s32 $0xFFFFEC00  }
0xcc: {  	[spmem:s2] =	stream.indirect.scatter.add.f32 [tilespmem:s24], [sflag:$0x3], $0x80, s30, s22, $0xb8;
	[tilespmem:$0x1AF80] =	vst v63  }
0xcd: {  	_ =	swait.ge [sflag:s20], $0x1400  }
0xce: {  	[sflag:s20] =	ssyncset.done $0x0  }
0xcf: {  	[sflag:s20] =	ssyncadd.s32 $0xFFFFEC00  }
0xd0: {  	s0 =	simm.s32 @p1 $0x1FC3;
	[bflag:$0x0] =	sbarrier.arrive $0xFFFF  }
0xd1: {  	[hbm:s11], [sflag:s0] =	dma.local @p1 [spmem:s17], $0x2080  }
0xd2: {  	s0 =	simm.s32 @p1 $0x3  }
0xd3: {  	_ =	swait.ge @p1 [sflag:s0], $0x2080  }
0xd4: {  	[sflag:s0] =	ssyncset.done @p1 $0x0  }
.Ltmp6:
0xd5: {  	[sflag:s0] =	ssyncadd.s32 @p1 $0xFFFFDF80;
	s0 =	simm.s32 @!p1 $0x3;
	(pc) =	sbr.rel .LBB2_8-.Ltmp6, $4  }
0xd6: {  	[hbm:s10], [sflag:s18] =	dma.local @!p1 [spmem:s19], $0x2780  }
0xd7: {  	_ =	swait.ge @!p1 [sflag:s0], $0x2780  }
0xd8: {  	[sflag:s0] =	ssyncset.done @!p1 $0x0  }
0xd9: {  	[sflag:s0] =	ssyncadd.s32 @!p1 $0xFFFFD880  }
.LBB2_9:
0xda: {  	_ =	sfence.sel $0x180000  }
0xdb: {  	[bflag:$0x0] =	sbarrier.arrive $0xFFFF  }
0xdc: {  	_ =	strace $0x9000004A  }
0xdd: {  	s0 =	stileid.u32;
	[bflag:$0x2] =	sbarrier.arrive $0xFFFF  }
0xde: {  	p0 =	sne.s32 s0, $0x0;
	s0 =	rddreg [dreg:$0x2]  }
0xdf: {  	s0 =	sadd.s32 @!p0 $0x100000, s0  }
0xe0: {  	[sflag:s0] =	ssyncadd.tile.s32 @!p0 $0x1;
	_ =	shalt  }
.Lfunc_end2:
_tile_overlayer_lowered:
.L_overlay_start_2:
0xe1: {  	(tag) =	ssettag $0x2  }
0xe2: {  	s0 =	rddreg [dreg:$0x0];
	s2 =	stileid.u32  }
0xe3: {  	s1 =	rddreg [dreg:$0x1];
	p0 =	sne.s32 s2, $0x0  }
0xe4: {  	s3 =	rddreg [dreg:$0x2];
	[bflag:$0x3] =	sbarrier.arrive $0xFFFF;
	s2 =	simm.s32 @!p0 $0x1C03  }
0xe5: {  	[timem:s3], [sflag:s2] =	dma.local @!p0 [hbm:s0], s1  }
0xe6: {  	s0 =	simm.s32 @!p0 $0x3  }
0xe7: {  	_ =	swait.ge @!p0 [sflag:s0], s1  }
0xe8: {  	s1 =	ssub.s32 @!p0 $0x0, s1;
	[sflag:s0] =	ssyncset.done @!p0 $0x0  }
0xe9: {  	[sflag:s0] =	ssyncadd.s32 @!p0 s1  }
0xea: {  	[bflag:$0x3] =	sbarrier.arrive $0xFFFF  }
0xeb: {  	_ =	shalt  }

// kernel: kernel.14.cloned.1.call-start
scs
__scs_entry_jumppad:
0x0: {  	(pc) =	sbr.rel $0x88, $3  }
0x1: {  	(tag) =	ssettag $0x0;
	lr =	simm.s32 $0x1  }
0x2: {  	[smem:$0x3F95] =	sst lr;
	_ =	strace $0xD0000000  }
0x3: {  	_ = 	snop  }
0x4: {  	_ = 	snop  }
0x5: {  	_ = 	snop  }
0x6: {  	_ = 	snop  }
0x7: {  	_ = 	snop  }
__scs_overlays_trampoline_lowered:
0x8: {  	[smem:$0x3FA4] =	sst s0  }
0x9: {  	[smem:$0x3FA5] =	sst s1  }
0xa: {  	[smem:$0x3FA6] =	sst s2  }
0xb: {  	[smem:$0x3FA7] =	sst s3  }
0xc: {  	[smem:$0x3FA8] =	sst s4  }
0xd: {  	[smem:$0x3FA9] =	sst s5  }
0xe: {  	[smem:$0x3FAA] =	sst s6  }
0xf: {  	[smem:$0x3FAB] =	sst s7  }
0x10: {  	[smem:$0x3FAC] =	sst s8  }
0x11: {  	[smem:$0x3FAD] =	sst s9;
	s0 =	simm.s32 @!p0 $0x0  }
0x12: {  	s1 =	sld [smem:$0x3F93];
	s0 =	simm.s32 @p0 $0x1  }
0x13: {  	[smem:$0x3FAE] =	sst s0;
	s0 =	simm.s32 @!p1 $0x0  }
0x14: {  	s2 =	sld [smem:$0x3F92];
	s0 =	simm.s32 @p1 $0x1  }
0x15: {  	[smem:$0x3FAF] =	sst s0;
	s0 =	simm.s32 @!p2 $0x0  }
0x16: {  	s3 =	sld [smem:$0x3FDB];
	s0 =	simm.s32 @p2 $0x1  }
0x17: {  	s4 =	simm.s32 $0x1BF5;
	[smem:$0x3FB1] =	sst s0  }
0x18: {  	s0 =	sld [smem:$0x3F94];
	_ =	swait.ge [sflag:s4], $0x0  }
0x19: {  	s7 =	sld [smem:$0x3F95]  }
0x1a: {  	s8 =	sadd.s32 $0xFFFFE003, lr  }
0x1b: {  	s9 =	sadd.s32 $0xFFFFFEF7, lr;
	s5 =	simm.s32 $0xFFFFFFFF;
	p2 =	slt.u32 s8, $0xFFFFF086  }
0x1c: {  	p1 =	slt.u32 s9, $0xF7A;
	s5 =	simm.s32 @!p2 $0x0  }
0x1d: {  	s5 =	simm.s32 @p1 $0x1;
	p0 =	seq.s32 s7, s2  }
0x1e: {  	s7 =	smul.u32 @!p0 $0xF7A, s2;
	p2 =	seq.s32 @!p0 s5, $0x0  }
0x1f: {  	s9 =	smul.u32 $0xF7A, s1;
	s8 =	simm.s32 @!p0 $0x1BF5;
	p2 =	por !p2, p0  }
0x20: {  	[sflag:s8] =	ssyncset.s32 @!p0 $0xFFFFF086;
	s6 =	sadd.s32 @!p0 s3, s7;
	s7 =	simm.s32 @!p0 $0x108  }
0x21: {  	s3 =	sadd.s32 s3, s9;
	s6 =	sadd.s32 @!p0 $0x88, s6;
	s7 =	simm.s32 @p2 $0x1082  }
0x22: {  	[simem:s7], [sflag:s8] =	dma.local @!p0 [hbm:s6], $0xF7A  }
0x23: {  	s9 =	sor.u32 $0xD0000000, s2;
	s6 =	simm.s32 $0x108;
	_ =	swait.ge @!p0 [sflag:s8], $0x0  }
0x24: {  	s3 =	sadd.s32 $0x88, s3;
	s6 =	simm.s32 @!p1 $0x1082;
	[sflag:s4] =	ssyncset.s32 $0xFFFFF086  }
0x25: {  	[simem:s6], [sflag:s4] =	dma.local [hbm:s3], $0xF7A  }
0x26: {  	[smem:$0x3F95] =	sst s1;
	(tag) =	ssettag s2;
	_ =	strace s9  }
0x27: {  	s1 =	sld [smem:$0x3FA5]  }
0x28: {  	s2 =	sld [smem:$0x3FA6]  }
0x29: {  	s4 =	sld [smem:$0x3FA8]  }
0x2a: {  	p0 =	seq.s32 s5, $0x0;
	s5 =	sld [smem:$0x3FA9]  }
0x2b: {  	s6 =	sld [smem:$0x3FAA]  }
0x2c: {  	s7 =	sld [smem:$0x3FAB]  }
0x2d: {  	s3 =	simm.s32 $0x108;
	s8 =	sld [smem:$0x3FAC]  }
0x2e: {  	s3 =	simm.s32 @!p0 $0x1082;
	s9 =	sld [smem:$0x3FAD]  }
0x2f: {  	lr =	sadd.s32 s0, s3;
	s0 =	sld [smem:$0x3FA4]  }
0x30: {  	s3 =	sld [smem:$0x3FA7]  }
0x31: {  	[smem:$0x3FB0] =	sst s10  }
0x32: {  	s10 =	sld [smem:$0x3FAE];
	_ =	sdelay $0x3  }
0x33: {  	p0 =	seq.s32 s10, $0x1;
	s10 =	sld [smem:$0x3FB0];
	_ =	sdelay $0x3  }
0x34: {  	[smem:$0x3FB0] =	sst s10  }
0x35: {  	s10 =	sld [smem:$0x3FAF];
	_ =	sdelay $0x3  }
0x36: {  	p1 =	seq.s32 s10, $0x1;
	s10 =	sld [smem:$0x3FB0];
	_ =	sdelay $0x3  }
0x37: {  	[smem:$0x3FB0] =	sst s10  }
0x38: {  	s10 =	sld [smem:$0x3FB1]  }
0x39: {  	_ = 	snop;
	(pc) =	sbr.ind lr, $3  }
0x3a: {  	_ = 	snop  }
0x3b: {  	_ = 	snop  }
0x3c: {  	p2 =	seq.s32 s10, $0x1;
	s10 =	sld [smem:$0x3FB0]  }
0x3d: {  	_ =	shalt  }
0x3e: {  	_ =	shalt  }
0x3f: {  	_ =	shalt  }
0x40: {  	_ =	shalt  }
0x41: {  	_ =	shalt  }
0x42: {  	_ =	shalt  }
0x43: {  	_ =	shalt  }
0x44: {  	_ =	shalt  }
0x45: {  	_ =	shalt  }
0x46: {  	_ =	shalt  }
0x47: {  	_ =	shalt  }
0x48: {  	_ =	shalt  }
0x49: {  	_ =	shalt  }
0x4a: {  	_ =	shalt  }
0x4b: {  	_ =	shalt  }
0x4c: {  	_ =	shalt  }
0x4d: {  	_ =	shalt  }
0x4e: {  	_ =	shalt  }
0x4f: {  	_ =	shalt  }
0x50: {  	_ =	shalt  }
0x51: {  	_ =	shalt  }
0x52: {  	_ =	shalt  }
0x53: {  	_ =	shalt  }
0x54: {  	_ =	shalt  }
0x55: {  	_ =	shalt  }
0x56: {  	_ =	shalt  }
0x57: {  	_ =	shalt  }
0x58: {  	_ =	shalt  }
0x59: {  	_ =	shalt  }
0x5a: {  	_ =	shalt  }
0x5b: {  	_ =	shalt  }
0x5c: {  	_ =	shalt  }
0x5d: {  	_ =	shalt  }
0x5e: {  	_ =	shalt  }
0x5f: {  	_ =	shalt  }
0x60: {  	_ =	shalt  }
0x61: {  	_ =	shalt  }
0x62: {  	_ =	shalt  }
0x63: {  	_ =	shalt  }
0x64: {  	_ =	shalt  }
0x65: {  	_ =	shalt  }
0x66: {  	_ =	shalt  }
0x67: {  	_ =	shalt  }
0x68: {  	_ =	shalt  }
0x69: {  	_ =	shalt  }
0x6a: {  	_ =	shalt  }
0x6b: {  	_ =	shalt  }
0x6c: {  	_ =	shalt  }
0x6d: {  	_ =	shalt  }
0x6e: {  	_ =	shalt  }
0x6f: {  	_ =	shalt  }
0x70: {  	_ =	shalt  }
0x71: {  	_ =	shalt  }
0x72: {  	_ =	shalt  }
0x73: {  	_ =	shalt  }
0x74: {  	_ =	shalt  }
0x75: {  	_ =	shalt  }
0x76: {  	_ =	shalt  }
0x77: {  	_ =	shalt  }
0x78: {  	_ =	shalt  }
0x79: {  	_ =	shalt  }
0x7a: {  	_ =	shalt  }
0x7b: {  	_ =	shalt  }
0x7c: {  	_ =	shalt  }
0x7d: {  	_ =	shalt  }
0x7e: {  	_ =	shalt  }
0x7f: {  	_ =	shalt  }
0x80: {  	_ =	shalt  }
0x81: {  	_ =	shalt  }
0x82: {  	_ =	shalt  }
0x83: {  	_ =	shalt  }
0x84: {  	_ =	shalt  }
0x85: {  	_ =	shalt  }
0x86: {  	_ =	shalt  }
0x87: {  	_ =	shalt  }
.Lfunc_end0:
.L_simem_size_0:
called_computation.2_lowered:
.L_overlay_start_0:
0x88: {  	s2 =	sld [smem:$0x3FD9]  }
0x89: {  	s3 =	sld [smem:$0x3FFE];
	_ =	sdelay $0x1  }
0x8a: {  	s1 =	srdreg.scid  }
0x8b: {  	s0 =	sand.u32 $0x1, s1  }
0x8c: {  	s16 =	sshll.u32 s0, $0xA;
	s2 =	sadd.s32 s3, s2  }
0x8d: {  	s2 =	sadd.s32 s2, s16  }
0x8e: {  	[smem:$0x3FBC] =	sst s2  }
0x8f: {  	_ = 	snop  }
0x90: {  	(tm) =	ssettm $0x1  }
0x91: {  	s17 =	sld [smem:$0x3FFB];
	_ =	sdelay $0x3  }
0x92: {  	_ =	strace s17  }
0x93: {  	s2 =	sld [smem:$0x3FFC];
	_ =	sdelay $0x3  }
0x94: {  	_ =	strace s2  }
0x95: {  	s2 =	sld [smem:$0x3FFD];
	_ =	sdelay $0x3  }
0x96: {  	_ =	strace s2  }
0x97: {  	_ =	strace $0x8FFFFFFF  }
0x98: {  	s18 =	sld [smem:$0x3FDB];
	_ =	sdelay $0x1  }
0x99: {  	s19 =	simm.s32 $_scs_section_size  }
0x9a: {  	s4 =	simm.s32 $_size__tile_overlayer_lowered;
	s5 =	simm.s32 $_tile_overlayer_lowered  }
0x9b: {  	s22 =	simm.s32 $0x1BFF;
	s21 =	sshll.u32 s5, $0x1;
	s2 =	sadd.s32 s19, s18  }
0x9c: {  	s6 =	simm.s32 $0x0;
	s20 =	sshll.u32 s4, $0x1;
	s4 =	sadd.s32 s21, s2  }
0x9d: {  	[timem:s6], [sflag:s22] =	dma.local [hbm:s4], s20  }
0x9e: {  	_ =	swait.ge [sflag:s22], s20  }
0x9f: {  	s3 =	ssub.s32 $0x0, s20;
	[sflag:s22] =	ssyncset.done $0x0  }
0xa0: {  	[sflag:s22] =	ssyncadd.s32 s3;
	_ =	sdelay $0x1  }
0xa1: {  	s23 =	simm.s32 $0x1B8B  }
0xa2: {  	_ =	swait.ge [sflag:s23], $0x1  }
0xa3: {  	[sflag:s23] =	ssyncset.done $0x0  }
0xa4: {  	s25 =	simm.s32 $0x1B8E;
	s24 =	sld [smem:$0x3FFE];
	[sflag:s23] =	ssyncadd.s32 $0xFFFFFFFF  }
0xa5: {  	s26 =	simm.s32 $execute0_lowered;
	[smem:$0x3FD2] =	sst s25  }
0xa6: {  	s4 =	sshll.u32 s26, $0x1;
	_ =	strace $0x8000004C;
	[dreg:$0x1] =	wrdreg $0xFFFFFFFF  }
0xa7: {  	s28 =	simm.s32 $_size_execute0_lowered;
	s2 =	sadd.s32 s2, s4;
	[dreg:$0x0] =	wrdreg $0x0  }
0xa8: {  	s4 =	sshll.u32 s28, $0x1;
	[dreg:$0x2] =	wrdreg s2  }
0xa9: {  	[dreg:$0x3] =	wrdreg s4  }
0xaa: {  	[dreg:$0x4] =	wrdreg $0xC0  }
0xab: {  	_ =	task [dreg:s6], $0x5FFFF  }
0xac: {  	[dreg:$0x1] =	wrdreg $0xFFFFFFFF  }
0xad: {  	[dreg:$0x0] =	wrdreg $0x60  }
0xae: {  	[dreg:$0x2] =	wrdreg s24  }
0xaf: {  	[dreg:$0x3] =	wrdreg $0x77000  }
0xb0: {  	[dreg:$0x4] =	wrdreg $0x9  }
0xb1: {  	_ =	task.clear_ibuf [dreg:s6], $0x5FFFF;
	_ =	strace $0x9000004C  }
0xb2: {  	s29 =	simm.s32 $0x9;
	_ =	strace $0x8000004E  }
0xb3: {  	_ =	swait.ge [sflag:s29], $0x1  }
0xb4: {  	[sflag:s29] =	ssyncadd.s32 $0xFFFFFFFF  }
0xb5: {  	_ =	strace $0x9000004E  }
0xb6: {  	_ =	sfence  }
0xb7: {  	s30 =	sld [smem:$0x0];
	_ =	sdelay $0x2  }
0xb8: {  	s31 =	sshll.u32 s1, $0xD;
	s1 =	sshrl.u32 s1, $0x2  }
0xb9: {  	s3 =	sand.u32 $0x4000, s31;
	s1 =	sadd.s32 s1, s30  }
0xba: {  	s0 =	sor.u32 s3, s0;
	s1 =	sshll.u32 s1, $0x11  }
0xbb: {  	s0 =	sor.u32 s1, s0  }
0xbc: {  	s0 =	sadd.s32 $0x8F2B, s0  }
0xbd: {  	[sflag:s0] =	ssyncadd.remote.s32 $0x1  }
0xbe: {  	_ =	sfence.sel $0xFFFF  }
0xbf: {  	[dreg:$0x0] =	wrdreg $0xFFFFFFFF;
	(pc) =	sbr.abs _section_cstart, $3  }
0xc0: {  	[dreg:$0x1] =	wrdreg $0xFFFFFFFF  }
0xc1: {  	_ =	task.clear_ibuf [dreg:s6], $0x2FFFF;
	_ =	strace $0x9FFFFFFF  }
0xc2: {  	(tm) =	ssettm $0x7FFFFFFF  }
0xc3: {  	_ =	shalt  }
tec
execute0_lowered:
.L_overlay_start_1:
0x0: {  	(tag) =	ssettag $0x1  }
0x1: {  	s0 =	rddreg [dreg:$0x0]  }
0x2: {  	s2 =	rddreg [dreg:$0x1];
	s3 =	simm.s32 $0x0  }
0x3: {  	s1 =	stileid.u32;
	s5 =	srdreg.scid;
	s20 =	simm.s32 $0x3  }
0x4: {  	s21 =	simm.s32 $0x2780;
	s22 =	simm.s32 $0x28;
	s23 =	simm.s32 $0x4F00  }
0x5: {  	s24 =	simm.s32 $0x6300;
	s25 =	simm.s32 $0x1;
	s28 =	simm.s32 $0x26E8  }
0x6: {  	s29 =	simm.s32 $0x4E40;
	s30 =	simm.s32 $0x4E68;
	s4 =	smul.u32 $0x4E2, s1  }
0x7: {  	[smem:$0x7FF] =	sst s3;
	s12 =	smul.u32 $0x2780, s1;
	s6 =	sand.u32 $0x1, s5  }
0x8: {  	s7 =	smul.u32 $0x4F000, s1;
	s5 =	sadd.s32 $0x35800, s0;
	s17 =	sadd.s32 $0x128400, s2  }
0x9: {  	s31 =	sadd.s32 $0x33680, s0;
	s11 =	sadd.s32 $0xA8C80, s0;
	s13 =	sadd.s32 $0x5A880, s0  }
0xa: {  	s15 =	sadd.s32 $0xCFE80, s0;
	p1 =	seq.s32 s1, $0xF;
	_ =	strace $0x8000004D  }
0xb: {  	s8 =	ssub.s32 $0x2, s6;
	p0 =	seq.s32 s6, $0x1;
	[dreg:$0x4] =	wrdreg s31  }
0xc: {  	s17 =	sshrl.u32 @p1 s17, $0x3;
	s9 =	sadd.s32 s4, s0;
	s4 =	sadd.s32 $0xE600, s0  }
0xd: {  	s14 =	sadd.s32 s12, s0;
	s10 =	sshrl.u32 s8, $0x1;
	s7 =	sshrl.u32 s7, $0x2  }
.Ltmp0:
0xe: {  	s0 =	sshll.u32 @!p1 s1, $0x6;
	s16 =	ssub.s32 s8, s10;
	(pc) =	sbr.rel .LBB2_1-.Ltmp0, $4  }
0xf: {  	s19 =	sadd.s32 s7, s2;
	s26 =	sadd.s32 s4, s12;
	s8 =	sadd.s32 $0x9600, s9  }
0x10: {  	s9 =	sadd.s32 $0x4600, s9;
	s10 =	sadd.s32 $0x83C00, s14;
	s12 =	sadd.s32 s5, s12  }
0x11: {  	s14 =	sadd.s32 $0xAAE00, s14;
	s18 =	sor.u32 @!p1 $0x1C03, s0;
	[dreg:$0x3] =	wrdreg s26  }
0x12: {  	s16 =	smax.u32 s16, $0x1;
	s19 =	sshrl.u32 @!p1 s19, $0x3;
	s26 =	simm.s32 $0x2  }
.LBB2_7:
0x13: {  	s0 =	sadd.s32 $0x28, s31;
	[sflag:s20] =	ssyncadd.s32 $0xFFFFEC00  }
0x14: {  	[tilespmem:s24], [sflag:$0x2] =	stream.indirect.gather [hbm4b:s5+s22], $0x80, s0, s22, $0xb8;
	[tilespmem:$0x1AF80] =	vst v63  }
0x15: {  	_ =	swait.ge [sflag:s25], $0x1400  }
0x16: {  	[sflag:s25] =	ssyncset.done $0x0  }
0x17: {  	s6 =	sadd.s32 $0x2780, s31;
	[sflag:s25] =	ssyncadd.s32 $0xFFFFEC00  }
0x18: {  	[spmem:s2] =	stream.indirect.scatter.add.f32 [tilespmem:s23], [sflag:$0x3], $0x80, s6, s22, $0xb8;
	[tilespmem:$0x1AF80] =	vst v63  }
0x19: {  	_ =	swait.ge [sflag:s20], $0x1400  }
0x1a: {  	[sflag:s20] =	ssyncset.done $0x0  }
0x1b: {  	s7 =	sadd.s32 $0x50, s31;
	[sflag:s20] =	ssyncadd.s32 $0xFFFFEC00  }
0x1c: {  	[tilespmem:s23], [sflag:$0x1] =	stream.indirect.gather [hbm4b:s5+s22], $0x80, s7, s22, $0xb8;
	[tilespmem:$0x1AF80] =	vst v63  }
0x1d: {  	_ =	swait.ge [sflag:s26], $0x1400  }
0x1e: {  	[sflag:s26] =	ssyncset.done $0x0  }
0x1f: {  	s31 =	sadd.s32 $0x27A8, s31;
	[sflag:s26] =	ssyncadd.s32 $0xFFFFEC00  }
0x20: {  	[spmem:s2] =	stream.indirect.scatter.add.f32 [tilespmem:s24], [sflag:$0x3], $0x80, s31, s22, $0xb8;
	[tilespmem:$0x1AF80] =	vst v63  }
0x21: {  	_ =	swait.ge [sflag:s20], $0x1400  }
0x22: {  	[sflag:s20] =	ssyncset.done $0x0  }
0x23: {  	[sflag:s20] =	ssyncadd.s32 $0xFFFFEC00  }
0x24: {  	[tilespmem:s24], [sflag:$0x2] =	stream.indirect.gather [hbm4b:s5+s22], $0x80, s28, s22, $0xb8;
	[tilespmem:$0x1AF80] =	vst v63  }
0x25: {  	_ =	swait.ge [sflag:s25], $0x1400  }
0x26: {  	[sflag:s25] =	ssyncset.done $0x0  }
0x27: {  	[sflag:s25] =	ssyncadd.s32 $0xFFFFEC00  }
0x28: {  	[spmem:s2] =	stream.indirect.scatter.add.f32 [tilespmem:s23], [sflag:$0x3], $0x80, s29, s22, $0xb8;
	[tilespmem:$0x1AF80] =	vst v63  }
0x29: {  	_ =	swait.ge [sflag:s20], $0x1400  }
0x2a: {  	[sflag:s20] =	ssyncset.done $0x0  }
0x2b: {  	[sflag:s20] =	ssyncadd.s32 $0xFFFFEC00  }
0x2c: {  	_ =	swait.ge [sflag:s26], $0x1400  }
0x2d: {  	[sflag:s26] =	ssyncset.done $0x0  }
0x2e: {  	[sflag:s26] =	ssyncadd.s32 $0xFFFFEC00  }
0x2f: {  	[spmem:s2] =	stream.indirect.scatter.add.f32 [tilespmem:s24], [sflag:$0x3], $0x80, s30, s22, $0xb8;
	[tilespmem:$0x1AF80] =	vst v63  }
0x30: {  	_ =	swait.ge [sflag:s20], $0x1400  }
0x31: {  	[sflag:s20] =	ssyncset.done $0x0  }
0x32: {  	[sflag:s20] =	ssyncadd.s32 $0xFFFFEC00  }
0x33: {  	s0 =	simm.s32 @p1 $0x1FC3;
	[bflag:$0x0] =	sbarrier.arrive $0xFFFF  }
0x34: {  	[hbm:s15], [sflag:s0] =	dma.local @p1 [spmem:s17], $0x2080  }
0x35: {  	s0 =	simm.s32 @p1 $0x3  }
0x36: {  	_ =	swait.ge @p1 [sflag:s0], $0x2080  }
0x37: {  	[sflag:s0] =	ssyncset.done @p1 $0x0  }
0x38: {  	[sflag:s0] =	ssyncadd.s32 @p1 $0xFFFFDF80;
	s0 =	simm.s32 @!p1 $0x3  }
0x39: {  	[hbm:s14], [sflag:s18] =	dma.local @!p1 [spmem:s19], $0x2780  }
0x3a: {  	_ =	swait.ge @!p1 [sflag:s0], $0x2780  }
0x3b: {  	[sflag:s0] =	ssyncset.done @!p1 $0x0  }
0x3c: {  	[sflag:s0] =	ssyncadd.s32 @!p1 $0xFFFFD880  }
.LBB2_8:
0x3d: {  	s3 =	sadd.s32 $0x1, s3  }
0x3e: {  	p2 =	sne.s32 s3, s16  }
.Ltmp1:
0x3f: {  	_ = 	snop;
	(pc) =	sbr.rel @!p2 .LBB2_9-.Ltmp1, $1  }
0x40: {  	_ =	sdelay $0x3  }
.LBB2_1:
.Ltmp2:
0x41: {  	(pc) =	sbr.rel @!p0 .LBB2_2-.Ltmp2, $1  }
0x42: {  	_ =	sdelay $0x3  }
0x43: {  	s0 =	simm.s32 @p1 $0x1FC3  }
0x44: {  	[spmem:s17], [sflag:s0] =	dma.local @p1 [hbm:s13], $0x2080  }
0x45: {  	s0 =	simm.s32 @p1 $0x3  }
0x46: {  	_ =	swait.ge @p1 [sflag:s0], $0x2080  }
0x47: {  	[sflag:s0] =	ssyncset.done @p1 $0x0  }
0x48: {  	[sflag:s0] =	ssyncadd.s32 @p1 $0xFFFFDF80;
	s0 =	simm.s32 @!p1 $0x3  }
0x49: {  	[spmem:s19], [sflag:s18] =	dma.local @!p1 [hbm:s12], $0x2780  }
0x4a: {  	_ =	swait.ge @!p1 [sflag:s0], $0x2780  }
0x4b: {  	[sflag:s0] =	ssyncset.done @!p1 $0x0  }
0x4c: {  	s6 =	simm.s32 $0x0;
	[sflag:s0] =	ssyncadd.s32 @!p1 $0xFFFFD880  }
0x4d: {  	[tilespmem:s6], [sflag:$0x3] =	stream.linear.gather [hbm4b:s8+s6], $0x2710, $0x38;
	[tilespmem:$0x1AF80] =	vst v63  }
0x4e: {  	_ =	swait.ge [sflag:s20], $0x2710  }
0x4f: {  	[sflag:s20] =	ssyncset.done $0x0  }
0x50: {  	[sflag:s20] =	ssyncadd.s32 $0xFFFFD8F0  }
0x51: {  	[tilespmem:s21], [sflag:$0x3] =	stream.linear.gather [hbm4b:s9+s6], $0x2710, $0x38;
	[tilespmem:$0x1AF80] =	vst v63  }
0x52: {  	_ =	swait.ge [sflag:s20], $0x2710  }
0x53: {  	[sflag:s20] =	ssyncset.done $0x0  }
0x54: {  	[sflag:s20] =	ssyncadd.s32 $0xFFFFD8F0  }
0x55: {  	[bflag:$0x0] =	sbarrier.arrive $0xFFFF  }
0x56: {  	[tilespmem:s23], [sflag:$0x1] =	stream.indirect.gather [hbm4b:s5+s22], $0x80, s6, s22, $0xb8;
	[tilespmem:$0x1AF80] =	vst v63  }
0x57: {  	s7 =	simm.s32 $0x28  }
0x58: {  	[tilespmem:s24], [sflag:$0x2] =	stream.indirect.gather [hbm4b:s5+s22], $0x80, s7, s22, $0xb8;
	[tilespmem:$0x1AF80] =	vst v63  }
0x59: {  	_ =	swait.ge [sflag:s25], $0x1400  }
0x5a: {  	[sflag:s25] =	ssyncset.done $0x0  }
0x5b: {  	s1 =	simm.s32 $0x2780;
	[sflag:s25] =	ssyncadd.s32 $0xFFFFEC00  }
0x5c: {  	[spmem:s2] =	stream.indirect.scatter.add.f32 [tilespmem:s23], [sflag:$0x3], $0x80, s1, s22, $0xb8;
	[tilespmem:$0x1AF80] =	vst v63  }
0x5d: {  	_ =	swait.ge [sflag:s20], $0x1400  }
0x5e: {  	[sflag:s20] =	ssyncset.done $0x0  }
0x5f: {  	s6 =	simm.s32 $0x50;
	[sflag:s20] =	ssyncadd.s32 $0xFFFFEC00  }
0x60: {  	[tilespmem:s23], [sflag:$0x1] =	stream.indirect.gather [hbm4b:s5+s22], $0x80, s6, s22, $0xb8;
	[tilespmem:$0x1AF80] =	vst v63  }
0x61: {  	_ =	swait.ge [sflag:s26], $0x1400  }
0x62: {  	[sflag:s26] =	ssyncset.done $0x0  }
0x63: {  	s7 =	simm.s32 $0x27A8;
	[sflag:s26] =	ssyncadd.s32 $0xFFFFEC00  }
0x64: {  	[spmem:s2] =	stream.indirect.scatter.add.f32 [tilespmem:s24], [sflag:$0x3], $0x80, s7, s22, $0xb8;
	[tilespmem:$0x1AF80] =	vst v63  }
0x65: {  	_ =	swait.ge [sflag:s20], $0x1400  }
0x66: {  	s31 =	simm.s32 $0x50;
	s0 =	simm.s32 $0x280;
	[sflag:s20] =	ssyncset.done $0x0  }
.LBB2_6:
0x67: {  	s1 =	sadd.s32 $0x28, s31  }
0x68: {  	[sflag:s20] =	ssyncadd.s32 $0xFFFFEC00;
	s6 =	smov.u32 s0;
	s7 =	sadd.s32 $0x140, s0  }
0x69: {  	[tilespmem:s24], [sflag:$0x2] =	stream.indirect.gather [hbm4b:s5+s22], $0x80, s1, s22, $0xb8;
	[tilespmem:$0x1AF80] =	vst v63  }
0x6a: {  	p2 =	sne.s32 s0, $0x99C0;
	_ =	swait.ge [sflag:s25], $0x1400  }
0x6b: {  	[sflag:s25] =	ssyncset.done $0x0  }
0x6c: {  	s0 =	sadd.s32 $0x2780, s31;
	[sflag:s25] =	ssyncadd.s32 $0xFFFFEC00  }
0x6d: {  	[spmem:s2] =	stream.indirect.scatter.add.f32 [tilespmem:s23], [sflag:$0x3], $0x80, s0, s22, $0xb8;
	[tilespmem:$0x1AF80] =	vst v63  }
0x6e: {  	_ =	swait.ge [sflag:s20], $0x1400  }
0x6f: {  	[sflag:s20] =	ssyncset.done $0x0  }
0x70: {  	s0 =	sadd.s32 $0x50, s31;
	[sflag:s20] =	ssyncadd.s32 $0xFFFFEC00  }
0x71: {  	[tilespmem:s23], [sflag:$0x1] =	stream.indirect.gather [hbm4b:s5+s22], $0x80, s0, s22, $0xb8;
	[tilespmem:$0x1AF80] =	vst v63  }
0x72: {  	_ =	swait.ge [sflag:s26], $0x1400  }
.Ltmp3:
0x73: {  	[sflag:s26] =	ssyncset.done $0x0;
	(pc) =	sbr.rel @p2 .LBB2_6-.Ltmp3, $4  }
0x74: {  	s0 =	sadd.s32 $0x27A8, s31;
	[sflag:s26] =	ssyncadd.s32 $0xFFFFEC00  }
0x75: {  	[spmem:s2] =	stream.indirect.scatter.add.f32 [tilespmem:s24], [sflag:$0x3], $0x80, s0, s22, $0xb8;
	[tilespmem:$0x1AF80] =	vst v63  }
0x76: {  	_ =	swait.ge [sflag:s20], $0x1400  }
0x77: {  	s31 =	sshra.s32 s6, $0x2;
	s0 =	smov.u32 s7;
	[sflag:s20] =	ssyncset.done $0x0  }
.Ltmp4:
0x78: {  	_ = 	snop;
	(pc) =	sbr.rel .LBB2_7-.Ltmp4, $1  }
0x79: {  	_ =	sdelay $0x3  }
.LBB2_2:
0x7a: {  	s0 =	simm.s32 @p1 $0x1FC3;
	s1 =	rddreg [dreg:$0x4]  }
0x7b: {  	[spmem:s17], [sflag:s0] =	dma.local @p1 [hbm:s1], $0x2080  }
0x7c: {  	s0 =	simm.s32 @p1 $0x3  }
0x7d: {  	_ =	swait.ge @p1 [sflag:s0], $0x2080  }
0x7e: {  	[sflag:s0] =	ssyncset.done @p1 $0x0  }
0x7f: {  	[sflag:s0] =	ssyncadd.s32 @p1 $0xFFFFDF80;
	s0 =	rddreg [dreg:$0x3]  }
0x80: {  	[spmem:s19], [sflag:s18] =	dma.local @!p1 [hbm:s0], $0x2780  }
0x81: {  	s0 =	simm.s32 @!p1 $0x3  }
0x82: {  	_ =	swait.ge @!p1 [sflag:s0], $0x2780  }
0x83: {  	[sflag:s0] =	ssyncset.done @!p1 $0x0  }
0x84: {  	s6 =	simm.s32 $0x0;
	[sflag:s0] =	ssyncadd.s32 @!p1 $0xFFFFD880  }
0x85: {  	[tilespmem:s6], [sflag:$0x3] =	stream.linear.gather [hbm4b:s8+s6], $0x2710, $0x38;
	[tilespmem:$0x1AF80] =	vst v63  }
0x86: {  	_ =	swait.ge [sflag:s20], $0x2710  }
0x87: {  	[sflag:s20] =	ssyncset.done $0x0  }
0x88: {  	[sflag:s20] =	ssyncadd.s32 $0xFFFFD8F0  }
0x89: {  	[tilespmem:s21], [sflag:$0x3] =	stream.linear.gather [hbm4b:s9+s6], $0x2710, $0x38;
	[tilespmem:$0x1AF80] =	vst v63  }
0x8a: {  	_ =	swait.ge [sflag:s20], $0x2710  }
0x8b: {  	[sflag:s20] =	ssyncset.done $0x0  }
0x8c: {  	[sflag:s20] =	ssyncadd.s32 $0xFFFFD8F0  }
0x8d: {  	[bflag:$0x0] =	sbarrier.arrive $0xFFFF  }
0x8e: {  	[tilespmem:s23], [sflag:$0x1] =	stream.indirect.gather [hbm4b:s4+s22], $0x80, s6, s22, $0xb8;
	[tilespmem:$0x1AF80] =	vst v63  }
0x8f: {  	s7 =	simm.s32 $0x28  }
0x90: {  	[tilespmem:s24], [sflag:$0x2] =	stream.indirect.gather [hbm4b:s4+s22], $0x80, s7, s22, $0xb8;
	[tilespmem:$0x1AF80] =	vst v63  }
0x91: {  	_ =	swait.ge [sflag:s25], $0x1400  }
0x92: {  	[sflag:s25] =	ssyncset.done $0x0  }
0x93: {  	s1 =	simm.s32 $0x2780;
	[sflag:s25] =	ssyncadd.s32 $0xFFFFEC00  }
0x94: {  	[spmem:s2] =	stream.indirect.scatter.add.f32 [tilespmem:s23], [sflag:$0x3], $0x80, s1, s22, $0xb8;
	[tilespmem:$0x1AF80] =	vst v63  }
0x95: {  	_ =	swait.ge [sflag:s20], $0x1400  }
0x96: {  	[sflag:s20] =	ssyncset.done $0x0  }
0x97: {  	s6 =	simm.s32 $0x50;
	[sflag:s20] =	ssyncadd.s32 $0xFFFFEC00  }
0x98: {  	[tilespmem:s23], [sflag:$0x1] =	stream.indirect.gather [hbm4b:s4+s22], $0x80, s6, s22, $0xb8;
	[tilespmem:$0x1AF80] =	vst v63  }
0x99: {  	_ =	swait.ge [sflag:s26], $0x1400  }
0x9a: {  	[sflag:s26] =	ssyncset.done $0x0  }
0x9b: {  	s7 =	simm.s32 $0x27A8;
	[sflag:s26] =	ssyncadd.s32 $0xFFFFEC00  }
0x9c: {  	[spmem:s2] =	stream.indirect.scatter.add.f32 [tilespmem:s24], [sflag:$0x3], $0x80, s7, s22, $0xb8;
	[tilespmem:$0x1AF80] =	vst v63  }
0x9d: {  	_ =	swait.ge [sflag:s20], $0x1400  }
0x9e: {  	s31 =	simm.s32 $0x50;
	s0 =	simm.s32 $0x280;
	[sflag:s20] =	ssyncset.done $0x0  }
.LBB2_3:
0x9f: {  	s1 =	sadd.s32 $0x28, s31  }
0xa0: {  	[sflag:s20] =	ssyncadd.s32 $0xFFFFEC00;
	s6 =	smov.u32 s0;
	s7 =	sadd.s32 $0x140, s0  }
0xa1: {  	[tilespmem:s24], [sflag:$0x2] =	stream.indirect.gather [hbm4b:s4+s22], $0x80, s1, s22, $0xb8;
	[tilespmem:$0x1AF80] =	vst v63  }
0xa2: {  	p2 =	sne.s32 s0, $0x99C0;
	_ =	swait.ge [sflag:s25], $0x1400  }
0xa3: {  	[sflag:s25] =	ssyncset.done $0x0  }
0xa4: {  	s0 =	sadd.s32 $0x2780, s31;
	[sflag:s25] =	ssyncadd.s32 $0xFFFFEC00  }
0xa5: {  	[spmem:s2] =	stream.indirect.scatter.add.f32 [tilespmem:s23], [sflag:$0x3], $0x80, s0, s22, $0xb8;
	[tilespmem:$0x1AF80] =	vst v63  }
0xa6: {  	_ =	swait.ge [sflag:s20], $0x1400  }
0xa7: {  	[sflag:s20] =	ssyncset.done $0x0  }
0xa8: {  	s0 =	sadd.s32 $0x50, s31;
	[sflag:s20] =	ssyncadd.s32 $0xFFFFEC00  }
0xa9: {  	[tilespmem:s23], [sflag:$0x1] =	stream.indirect.gather [hbm4b:s4+s22], $0x80, s0, s22, $0xb8;
	[tilespmem:$0x1AF80] =	vst v63  }
0xaa: {  	_ =	swait.ge [sflag:s26], $0x1400  }
.Ltmp5:
0xab: {  	[sflag:s26] =	ssyncset.done $0x0;
	(pc) =	sbr.rel @p2 .LBB2_3-.Ltmp5, $4  }
0xac: {  	s0 =	sadd.s32 $0x27A8, s31;
	[sflag:s26] =	ssyncadd.s32 $0xFFFFEC00  }
0xad: {  	[spmem:s2] =	stream.indirect.scatter.add.f32 [tilespmem:s24], [sflag:$0x3], $0x80, s0, s22, $0xb8;
	[tilespmem:$0x1AF80] =	vst v63  }
0xae: {  	_ =	swait.ge [sflag:s20], $0x1400  }
0xaf: {  	s31 =	sshra.s32 s6, $0x2;
	s0 =	smov.u32 s7;
	[sflag:s20] =	ssyncset.done $0x0  }
0xb0: {  	s0 =	sadd.s32 $0x28, s31;
	[sflag:s20] =	ssyncadd.s32 $0xFFFFEC00  }
0xb1: {  	[tilespmem:s24], [sflag:$0x2] =	stream.indirect.gather [hbm4b:s4+s22], $0x80, s0, s22, $0xb8;
	[tilespmem:$0x1AF80] =	vst v63  }
0xb2: {  	_ =	swait.ge [sflag:s25], $0x1400  }
0xb3: {  	[sflag:s25] =	ssyncset.done $0x0  }
0xb4: {  	s6 =	sadd.s32 $0x2780, s31;
	[sflag:s25] =	ssyncadd.s32 $0xFFFFEC00  }
0xb5: {  	[spmem:s2] =	stream.indirect.scatter.add.f32 [tilespmem:s23], [sflag:$0x3], $0x80, s6, s22, $0xb8;
	[tilespmem:$0x1AF80] =	vst v63  }
0xb6: {  	_ =	swait.ge [sflag:s20], $0x1400  }
0xb7: {  	[sflag:s20] =	ssyncset.done $0x0  }
0xb8: {  	s7 =	sadd.s32 $0x50, s31;
	[sflag:s20] =	ssyncadd.s32 $0xFFFFEC00  }
0xb9: {  	[tilespmem:s23], [sflag:$0x1] =	stream.indirect.gather [hbm4b:s4+s22], $0x80, s7, s22, $0xb8;
	[tilespmem:$0x1AF80] =	vst v63  }
0xba: {  	_ =	swait.ge [sflag:s26], $0x1400  }
0xbb: {  	[sflag:s26] =	ssyncset.done $0x0  }
0xbc: {  	s31 =	sadd.s32 $0x27A8, s31;
	[sflag:s26] =	ssyncadd.s32 $0xFFFFEC00  }
0xbd: {  	[spmem:s2] =	stream.indirect.scatter.add.f32 [tilespmem:s24], [sflag:$0x3], $0x80, s31, s22, $0xb8;
	[tilespmem:$0x1AF80] =	vst v63  }
0xbe: {  	_ =	swait.ge [sflag:s20], $0x1400  }
0xbf: {  	[sflag:s20] =	ssyncset.done $0x0  }
0xc0: {  	[sflag:s20] =	ssyncadd.s32 $0xFFFFEC00  }
0xc1: {  	[tilespmem:s24], [sflag:$0x2] =	stream.indirect.gather [hbm4b:s4+s22], $0x80, s28, s22, $0xb8;
	[tilespmem:$0x1AF80] =	vst v63  }
0xc2: {  	_ =	swait.ge [sflag:s25], $0x1400  }
0xc3: {  	[sflag:s25] =	ssyncset.done $0x0  }
0xc4: {  	[sflag:s25] =	ssyncadd.s32 $0xFFFFEC00  }
0xc5: {  	[spmem:s2] =	stream.indirect.scatter.add.f32 [tilespmem:s23], [sflag:$0x3], $0x80, s29, s22, $0xb8;
	[tilespmem:$0x1AF80] =	vst v63  }
0xc6: {  	_ =	swait.ge [sflag:s20], $0x1400  }
0xc7: {  	[sflag:s20] =	ssyncset.done $0x0  }
0xc8: {  	[sflag:s20] =	ssyncadd.s32 $0xFFFFEC00  }
0xc9: {  	_ =	swait.ge [sflag:s26], $0x1400  }
0xca: {  	[sflag:s26] =	ssyncset.done $0x0  }
0xcb: {  	[sflag:s26] =	ssyncadd.s32 $0xFFFFEC00  }
0xcc: {  	[spmem:s2] =	stream.indirect.scatter.add.f32 [tilespmem:s24], [sflag:$0x3], $0x80, s30, s22, $0xb8;
	[tilespmem:$0x1AF80] =	vst v63  }
0xcd: {  	_ =	swait.ge [sflag:s20], $0x1400  }
0xce: {  	[sflag:s20] =	ssyncset.done $0x0  }
0xcf: {  	[sflag:s20] =	ssyncadd.s32 $0xFFFFEC00  }
0xd0: {  	s0 =	simm.s32 @p1 $0x1FC3;
	[bflag:$0x0] =	sbarrier.arrive $0xFFFF  }
0xd1: {  	[hbm:s11], [sflag:s0] =	dma.local @p1 [spmem:s17], $0x2080  }
0xd2: {  	s0 =	simm.s32 @p1 $0x3  }
0xd3: {  	_ =	swait.ge @p1 [sflag:s0], $0x2080  }
0xd4: {  	[sflag:s0] =	ssyncset.done @p1 $0x0  }
.Ltmp6:
0xd5: {  	[sflag:s0] =	ssyncadd.s32 @p1 $0xFFFFDF80;
	s0 =	simm.s32 @!p1 $0x3;
	(pc) =	sbr.rel .LBB2_8-.Ltmp6, $4  }
0xd6: {  	[hbm:s10], [sflag:s18] =	dma.local @!p1 [spmem:s19], $0x2780  }
0xd7: {  	_ =	swait.ge @!p1 [sflag:s0], $0x2780  }
0xd8: {  	[sflag:s0] =	ssyncset.done @!p1 $0x0  }
0xd9: {  	[sflag:s0] =	ssyncadd.s32 @!p1 $0xFFFFD880  }
.LBB2_9:
0xda: {  	_ =	sfence.sel $0x180000  }
0xdb: {  	[bflag:$0x0] =	sbarrier.arrive $0xFFFF  }
0xdc: {  	_ =	strace $0x9000004D  }
0xdd: {  	s0 =	stileid.u32;
	[bflag:$0x2] =	sbarrier.arrive $0xFFFF  }
0xde: {  	p0 =	sne.s32 s0, $0x0;
	s0 =	rddreg [dreg:$0x2]  }
0xdf: {  	s0 =	sadd.s32 @!p0 $0x100000, s0  }
0xe0: {  	[sflag:s0] =	ssyncadd.tile.s32 @!p0 $0x1;
	_ =	shalt  }
.Lfunc_end2:
_tile_overlayer_lowered:
.L_overlay_start_2:
0xe1: {  	(tag) =	ssettag $0x2  }
0xe2: {  	s0 =	rddreg [dreg:$0x0];
	s2 =	stileid.u32  }
0xe3: {  	s1 =	rddreg [dreg:$0x1];
	p0 =	sne.s32 s2, $0x0  }
0xe4: {  	s3 =	rddreg [dreg:$0x2];
	[bflag:$0x3] =	sbarrier.arrive $0xFFFF;
	s2 =	simm.s32 @!p0 $0x1C03  }
0xe5: {  	[timem:s3], [sflag:s2] =	dma.local @!p0 [hbm:s0], s1  }
0xe6: {  	s0 =	simm.s32 @!p0 $0x3  }
0xe7: {  	_ =	swait.ge @!p0 [sflag:s0], s1  }
0xe8: {  	s1 =	ssub.s32 @!p0 $0x0, s1;
	[sflag:s0] =	ssyncset.done @!p0 $0x0  }
0xe9: {  	[sflag:s0] =	ssyncadd.s32 @!p0 s1  }
0xea: {  	[bflag:$0x3] =	sbarrier.arrive $0xFFFF  }
0xeb: {  	_ =	shalt  }

// kernel: kernel.8.cloned.1.call-start
scs
__scs_entry_jumppad:
0x0: {  	(pc) =	sbr.rel $0x88, $3  }
0x1: {  	(tag) =	ssettag $0x0;
	lr =	simm.s32 $0x1  }
0x2: {  	[smem:$0x3F95] =	sst lr;
	_ =	strace $0xD0000000  }
0x3: {  	_ = 	snop  }
0x4: {  	_ = 	snop  }
0x5: {  	_ = 	snop  }
0x6: {  	_ = 	snop  }
0x7: {  	_ = 	snop  }
__scs_overlays_trampoline_lowered:
0x8: {  	[smem:$0x3FA4] =	sst s0  }
0x9: {  	[smem:$0x3FA5] =	sst s1  }
0xa: {  	[smem:$0x3FA6] =	sst s2  }
0xb: {  	[smem:$0x3FA7] =	sst s3  }
0xc: {  	[smem:$0x3FA8] =	sst s4  }
0xd: {  	[smem:$0x3FA9] =	sst s5  }
0xe: {  	[smem:$0x3FAA] =	sst s6  }
0xf: {  	[smem:$0x3FAB] =	sst s7  }
0x10: {  	[smem:$0x3FAC] =	sst s8  }
0x11: {  	[smem:$0x3FAD] =	sst s9;
	s0 =	simm.s32 @!p0 $0x0  }
0x12: {  	s1 =	sld [smem:$0x3F93];
	s0 =	simm.s32 @p0 $0x1  }
0x13: {  	[smem:$0x3FAE] =	sst s0;
	s0 =	simm.s32 @!p1 $0x0  }
0x14: {  	s2 =	sld [smem:$0x3F92];
	s0 =	simm.s32 @p1 $0x1  }
0x15: {  	[smem:$0x3FAF] =	sst s0;
	s0 =	simm.s32 @!p2 $0x0  }
0x16: {  	s3 =	sld [smem:$0x3FDB];
	s0 =	simm.s32 @p2 $0x1  }
0x17: {  	s4 =	simm.s32 $0x1BF5;
	[smem:$0x3FB1] =	sst s0  }
0x18: {  	s0 =	sld [smem:$0x3F94];
	_ =	swait.ge [sflag:s4], $0x0  }
0x19: {  	s7 =	sld [smem:$0x3F95]  }
0x1a: {  	s8 =	sadd.s32 $0xFFFFE003, lr  }
0x1b: {  	s9 =	sadd.s32 $0xFFFFFEF7, lr;
	s5 =	simm.s32 $0xFFFFFFFF;
	p2 =	slt.u32 s8, $0xFFFFF086  }
0x1c: {  	p1 =	slt.u32 s9, $0xF7A;
	s5 =	simm.s32 @!p2 $0x0  }
0x1d: {  	s5 =	simm.s32 @p1 $0x1;
	p0 =	seq.s32 s7, s2  }
0x1e: {  	s7 =	smul.u32 @!p0 $0xF7A, s2;
	p2 =	seq.s32 @!p0 s5, $0x0  }
0x1f: {  	s9 =	smul.u32 $0xF7A, s1;
	s8 =	simm.s32 @!p0 $0x1BF5;
	p2 =	por !p2, p0  }
0x20: {  	[sflag:s8] =	ssyncset.s32 @!p0 $0xFFFFF086;
	s6 =	sadd.s32 @!p0 s3, s7;
	s7 =	simm.s32 @!p0 $0x108  }
0x21: {  	s3 =	sadd.s32 s3, s9;
	s6 =	sadd.s32 @!p0 $0x88, s6;
	s7 =	simm.s32 @p2 $0x1082  }
0x22: {  	[simem:s7], [sflag:s8] =	dma.local @!p0 [hbm:s6], $0xF7A  }
0x23: {  	s9 =	sor.u32 $0xD0000000, s2;
	s6 =	simm.s32 $0x108;
	_ =	swait.ge @!p0 [sflag:s8], $0x0  }
0x24: {  	s3 =	sadd.s32 $0x88, s3;
	s6 =	simm.s32 @!p1 $0x1082;
	[sflag:s4] =	ssyncset.s32 $0xFFFFF086  }
0x25: {  	[simem:s6], [sflag:s4] =	dma.local [hbm:s3], $0xF7A  }
0x26: {  	[smem:$0x3F95] =	sst s1;
	(tag) =	ssettag s2;
	_ =	strace s9  }
0x27: {  	s1 =	sld [smem:$0x3FA5]  }
0x28: {  	s2 =	sld [smem:$0x3FA6]  }
0x29: {  	s4 =	sld [smem:$0x3FA8]  }
0x2a: {  	p0 =	seq.s32 s5, $0x0;
	s5 =	sld [smem:$0x3FA9]  }
0x2b: {  	s6 =	sld [smem:$0x3FAA]  }
0x2c: {  	s7 =	sld [smem:$0x3FAB]  }
0x2d: {  	s3 =	simm.s32 $0x108;
	s8 =	sld [smem:$0x3FAC]  }
0x2e: {  	s3 =	simm.s32 @!p0 $0x1082;
	s9 =	sld [smem:$0x3FAD]  }
0x2f: {  	lr =	sadd.s32 s0, s3;
	s0 =	sld [smem:$0x3FA4]  }
0x30: {  	s3 =	sld [smem:$0x3FA7]  }
0x31: {  	[smem:$0x3FB0] =	sst s10  }
0x32: {  	s10 =	sld [smem:$0x3FAE];
	_ =	sdelay $0x3  }
0x33: {  	p0 =	seq.s32 s10, $0x1;
	s10 =	sld [smem:$0x3FB0];
	_ =	sdelay $0x3  }
0x34: {  	[smem:$0x3FB0] =	sst s10  }
0x35: {  	s10 =	sld [smem:$0x3FAF];
	_ =	sdelay $0x3  }
0x36: {  	p1 =	seq.s32 s10, $0x1;
	s10 =	sld [smem:$0x3FB0];
	_ =	sdelay $0x3  }
0x37: {  	[smem:$0x3FB0] =	sst s10  }
0x38: {  	s10 =	sld [smem:$0x3FB1]  }
0x39: {  	_ = 	snop;
	(pc) =	sbr.ind lr, $3  }
0x3a: {  	_ = 	snop  }
0x3b: {  	_ = 	snop  }
0x3c: {  	p2 =	seq.s32 s10, $0x1;
	s10 =	sld [smem:$0x3FB0]  }
0x3d: {  	_ =	shalt  }
0x3e: {  	_ =	shalt  }
0x3f: {  	_ =	shalt  }
0x40: {  	_ =	shalt  }
0x41: {  	_ =	shalt  }
0x42: {  	_ =	shalt  }
0x43: {  	_ =	shalt  }
0x44: {  	_ =	shalt  }
0x45: {  	_ =	shalt  }
0x46: {  	_ =	shalt  }
0x47: {  	_ =	shalt  }
0x48: {  	_ =	shalt  }
0x49: {  	_ =	shalt  }
0x4a: {  	_ =	shalt  }
0x4b: {  	_ =	shalt  }
0x4c: {  	_ =	shalt  }
0x4d: {  	_ =	shalt  }
0x4e: {  	_ =	shalt  }
0x4f: {  	_ =	shalt  }
0x50: {  	_ =	shalt  }
0x51: {  	_ =	shalt  }
0x52: {  	_ =	shalt  }
0x53: {  	_ =	shalt  }
0x54: {  	_ =	shalt  }
0x55: {  	_ =	shalt  }
0x56: {  	_ =	shalt  }
0x57: {  	_ =	shalt  }
0x58: {  	_ =	shalt  }
0x59: {  	_ =	shalt  }
0x5a: {  	_ =	shalt  }
0x5b: {  	_ =	shalt  }
0x5c: {  	_ =	shalt  }
0x5d: {  	_ =	shalt  }
0x5e: {  	_ =	shalt  }
0x5f: {  	_ =	shalt  }
0x60: {  	_ =	shalt  }
0x61: {  	_ =	shalt  }
0x62: {  	_ =	shalt  }
0x63: {  	_ =	shalt  }
0x64: {  	_ =	shalt  }
0x65: {  	_ =	shalt  }
0x66: {  	_ =	shalt  }
0x67: {  	_ =	shalt  }
0x68: {  	_ =	shalt  }
0x69: {  	_ =	shalt  }
0x6a: {  	_ =	shalt  }
0x6b: {  	_ =	shalt  }
0x6c: {  	_ =	shalt  }
0x6d: {  	_ =	shalt  }
0x6e: {  	_ =	shalt  }
0x6f: {  	_ =	shalt  }
0x70: {  	_ =	shalt  }
0x71: {  	_ =	shalt  }
0x72: {  	_ =	shalt  }
0x73: {  	_ =	shalt  }
0x74: {  	_ =	shalt  }
0x75: {  	_ =	shalt  }
0x76: {  	_ =	shalt  }
0x77: {  	_ =	shalt  }
0x78: {  	_ =	shalt  }
0x79: {  	_ =	shalt  }
0x7a: {  	_ =	shalt  }
0x7b: {  	_ =	shalt  }
0x7c: {  	_ =	shalt  }
0x7d: {  	_ =	shalt  }
0x7e: {  	_ =	shalt  }
0x7f: {  	_ =	shalt  }
0x80: {  	_ =	shalt  }
0x81: {  	_ =	shalt  }
0x82: {  	_ =	shalt  }
0x83: {  	_ =	shalt  }
0x84: {  	_ =	shalt  }
0x85: {  	_ =	shalt  }
0x86: {  	_ =	shalt  }
0x87: {  	_ =	shalt  }
.Lfunc_end0:
.L_simem_size_0:
called_computation_lowered:
.L_overlay_start_0:
0x88: {  	s2 =	sld [smem:$0x3FD9]  }
0x89: {  	s3 =	sld [smem:$0x3FFE];
	_ =	sdelay $0x1  }
0x8a: {  	s1 =	srdreg.scid  }
0x8b: {  	s0 =	sand.u32 $0x1, s1  }
0x8c: {  	s16 =	sshll.u32 s0, $0xA;
	s2 =	sadd.s32 s3, s2  }
0x8d: {  	s2 =	sadd.s32 s2, s16  }
0x8e: {  	[smem:$0x3FBC] =	sst s2  }
0x8f: {  	_ = 	snop  }
0x90: {  	(tm) =	ssettm $0x1  }
0x91: {  	s17 =	sld [smem:$0x3FFB];
	_ =	sdelay $0x3  }
0x92: {  	_ =	strace s17  }
0x93: {  	s2 =	sld [smem:$0x3FFC];
	_ =	sdelay $0x3  }
0x94: {  	_ =	strace s2  }
0x95: {  	s2 =	sld [smem:$0x3FFD];
	_ =	sdelay $0x3  }
0x96: {  	_ =	strace s2  }
0x97: {  	_ =	strace $0x8FFFFFFF  }
0x98: {  	s18 =	sld [smem:$0x3FDB];
	_ =	sdelay $0x1  }
0x99: {  	s19 =	simm.s32 $_scs_section_size  }
0x9a: {  	s4 =	simm.s32 $_size__tile_overlayer_lowered;
	s5 =	simm.s32 $_tile_overlayer_lowered  }
0x9b: {  	s22 =	simm.s32 $0x1BFF;
	s21 =	sshll.u32 s5, $0x1;
	s2 =	sadd.s32 s19, s18  }
0x9c: {  	s6 =	simm.s32 $0x0;
	s20 =	sshll.u32 s4, $0x1;
	s4 =	sadd.s32 s21, s2  }
0x9d: {  	[timem:s6], [sflag:s22] =	dma.local [hbm:s4], s20  }
0x9e: {  	_ =	swait.ge [sflag:s22], s20  }
0x9f: {  	s3 =	ssub.s32 $0x0, s20;
	[sflag:s22] =	ssyncset.done $0x0  }
0xa0: {  	[sflag:s22] =	ssyncadd.s32 s3;
	_ =	sdelay $0x1  }
0xa1: {  	s23 =	simm.s32 $0x1B8B  }
0xa2: {  	_ =	swait.ge [sflag:s23], $0x1  }
0xa3: {  	[sflag:s23] =	ssyncset.done $0x0  }
0xa4: {  	s25 =	simm.s32 $0x1B8E;
	s24 =	sld [smem:$0x3FFE];
	[sflag:s23] =	ssyncadd.s32 $0xFFFFFFFF  }
0xa5: {  	s26 =	simm.s32 $execute0_lowered;
	[smem:$0x3FD2] =	sst s25  }
0xa6: {  	s4 =	sshll.u32 s26, $0x1;
	_ =	strace $0x80000046;
	[dreg:$0x1] =	wrdreg $0xFFFFFFFF  }
0xa7: {  	s28 =	simm.s32 $_size_execute0_lowered;
	s2 =	sadd.s32 s2, s4;
	[dreg:$0x0] =	wrdreg $0x0  }
0xa8: {  	s4 =	sshll.u32 s28, $0x1;
	[dreg:$0x2] =	wrdreg s2  }
0xa9: {  	[dreg:$0x3] =	wrdreg s4  }
0xaa: {  	[dreg:$0x4] =	wrdreg $0xC0  }
0xab: {  	_ =	task [dreg:s6], $0x5FFFF  }
0xac: {  	[dreg:$0x1] =	wrdreg $0xFFFFFFFF  }
0xad: {  	[dreg:$0x0] =	wrdreg $0x60  }
0xae: {  	[dreg:$0x2] =	wrdreg s24  }
0xaf: {  	[dreg:$0x3] =	wrdreg $0x17000  }
0xb0: {  	[dreg:$0x4] =	wrdreg $0x9  }
0xb1: {  	_ =	task.clear_ibuf [dreg:s6], $0x5FFFF;
	_ =	strace $0x90000046  }
0xb2: {  	s29 =	simm.s32 $0x9;
	_ =	strace $0x80000048  }
0xb3: {  	_ =	swait.ge [sflag:s29], $0x1  }
0xb4: {  	[sflag:s29] =	ssyncadd.s32 $0xFFFFFFFF  }
0xb5: {  	_ =	strace $0x90000048  }
0xb6: {  	_ =	sfence  }
0xb7: {  	s30 =	sld [smem:$0x0];
	_ =	sdelay $0x2  }
0xb8: {  	s31 =	sshll.u32 s1, $0xD;
	s1 =	sshrl.u32 s1, $0x2  }
0xb9: {  	s3 =	sand.u32 $0x4000, s31;
	s1 =	sadd.s32 s1, s30  }
0xba: {  	s0 =	sor.u32 s3, s0;
	s1 =	sshll.u32 s1, $0x11  }
0xbb: {  	s0 =	sor.u32 s1, s0  }
0xbc: {  	s0 =	sadd.s32 $0x8F2B, s0  }
0xbd: {  	[sflag:s0] =	ssyncadd.remote.s32 $0x1  }
0xbe: {  	_ =	sfence.sel $0xFFFF  }
0xbf: {  	[dreg:$0x0] =	wrdreg $0xFFFFFFFF;
	(pc) =	sbr.abs _section_cstart, $3  }
0xc0: {  	[dreg:$0x1] =	wrdreg $0xFFFFFFFF  }
0xc1: {  	_ =	task.clear_ibuf [dreg:s6], $0x2FFFF;
	_ =	strace $0x9FFFFFFF  }
0xc2: {  	(tm) =	ssettm $0x7FFFFFFF  }
0xc3: {  	_ =	shalt  }
tec
execute0_lowered:
.L_overlay_start_1:
0x0: {  	(tag) =	ssettag $0x1  }
0x1: {  	s7 =	rddreg [dreg:$0x0]  }
0x2: {  	s2 =	rddreg [dreg:$0x1]  }
0x3: {  	s0 =	srdreg.scid;
	s1 =	rddreg [dreg:$0x2];
	s3 =	simm.s32 $0x0  }
0x4: {  	s10 =	simm.s32 $0x28;
	s4 =	sand.u32 $0x1, s0;
	s0 =	stileid.u32  }
0x5: {  	s11 =	simm.s32 $0x1400;
	[smem:$0x7FF] =	sst s3;
	s5 =	smul.u32 $0x13880, s4  }
0x6: {  	s14 =	simm.s32 $0x0;
	s6 =	smul.u32 $0x1388, s0;
	_ =	strace $0x80000047  }
0x7: {  	s31 =	ssub.s32 $0x2, s4;
	s9 =	smul.u32 $0x280, s0;
	s12 =	sshll.u32 s0, $0x6  }
0x8: {  	p0 =	seq.s32 s4, $0x1;
	s8 =	sshrl.u32 s31, $0x1;
	s12 =	sor.u32 $0x1C01, s12  }
0x9: {  	s5 =	sadd.s32 s6, s5;
	s6 =	ssub.s32 s31, s8;
	s8 =	simm.s32 $0xEC00  }
0xa: {  	s4 =	sadd.s32 s9, s2;
	s9 =	sshrl.u32 s9, $0x3;
	s5 =	sshrl.u32 s5, $0x3  }
0xb: {  	s8 =	simm.s32 @!p0 $0xE600;
	s6 =	smax.u32 s6, $0x1;
	s13 =	sshrl.u32 s4, $0x3  }
0xc: {  	s5 =	sadd.s32 s5, s7;
	s7 =	sadd.s32 s8, s7;
	s8 =	simm.s32 $0x1480  }
0xd: {  	v0 =	vimm.f32 $1.000000000e+00;
	v1 =	vimm.f32 $0.0e+00;
	s5 =	sadd.s32 $0x4600, s5;
	s7 =	sadd.s32 s7, s9;
	s9 =	simm.s32 $0x1  }
.LBB2_1:
0xe: {  	[tilespmem:$0x1400] =	vst v0  }
0xf: {  	[tilespmem:$0x1410] =	vst v0  }
0x10: {  	[tilespmem:$0x1480] =	vst v1  }
0x11: {  	[tilespmem:$0x1490] =	vst v1  }
0x12: {  	[tilespmem:$0x14A0] =	vst v1  }
0x13: {  	[tilespmem:$0x14B0] =	vst v1  }
0x14: {  	[tilespmem:$0x14C0] =	vst v1  }
0x15: {  	[tilespmem:$0x14D0] =	vst v1  }
0x16: {  	[tilespmem:$0x14E0] =	vst v1  }
0x17: {  	[tilespmem:$0x14F0] =	vst v1  }
0x18: {  	[tilespmem:$0x1500] =	vst v1  }
0x19: {  	[tilespmem:$0x1510] =	vst v1  }
0x1a: {  	[tilespmem:$0x1520] =	vst v1  }
0x1b: {  	[tilespmem:$0x1530] =	vst v1  }
0x1c: {  	[tilespmem:$0x1540] =	vst v1  }
0x1d: {  	[tilespmem:$0x1550] =	vst v1  }
0x1e: {  	[tilespmem:$0x1560] =	vst v1  }
0x1f: {  	[tilespmem:$0x1570] =	vst v1  }
0x20: {  	[tilespmem:$0x1580] =	vst v1  }
0x21: {  	[tilespmem:$0x1590] =	vst v1  }
0x22: {  	[tilespmem:$0x15A0] =	vst v1  }
0x23: {  	[tilespmem:$0x15B0] =	vst v1  }
0x24: {  	[tilespmem:$0x15C0] =	vst v1  }
0x25: {  	[tilespmem:$0x15D0] =	vst v1  }
0x26: {  	[tilespmem:$0x15E0] =	vst v1  }
0x27: {  	[tilespmem:$0x15F0] =	vst v1  }
0x28: {  	[tilespmem:$0x1600] =	vst v1  }
0x29: {  	[tilespmem:$0x1610] =	vst v1  }
0x2a: {  	[tilespmem:$0x1620] =	vst v1  }
0x2b: {  	[tilespmem:$0x1630] =	vst v1  }
0x2c: {  	[tilespmem:$0x1640] =	vst v1  }
0x2d: {  	[tilespmem:$0x1650] =	vst v1  }
0x2e: {  	[tilespmem:$0x1660] =	vst v1  }
0x2f: {  	[tilespmem:$0x1670] =	vst v1  }
0x30: {  	[tilespmem:$0x1680] =	vst v1  }
0x31: {  	[tilespmem:$0x1690] =	vst v1  }
0x32: {  	[tilespmem:$0x16A0] =	vst v1  }
0x33: {  	[tilespmem:$0x16B0] =	vst v1  }
0x34: {  	[tilespmem:$0x16C0] =	vst v1  }
0x35: {  	[tilespmem:$0x16D0] =	vst v1  }
0x36: {  	[tilespmem:$0x16E0] =	vst v1  }
0x37: {  	[tilespmem:$0x16F0] =	vst v1  }
0x38: {  	[tilespmem:$0x1418] =	vst v0  }
0x39: {  	[spmem:s4] =	stream.linear.scatter [tilespmem:s8], [sflag:$0x1], $0x280, $0x38;
	[tilespmem:$0x1980] =	vst v63  }
0x3a: {  	_ =	swait.ge [sflag:s9], $0x280  }
0x3b: {  	[sflag:s9] =	ssyncset.done $0x0  }
0x3c: {  	[sflag:s9] =	ssyncadd.s32 $0xFFFFFD80  }
0x3d: {  	[bflag:$0x0] =	sbarrier.arrive $0xFFFF  }
0x3e: {  	[tilespmem:s3], [sflag:$0x1] =	stream.linear.gather [hbm4b:s5+s3], $0x1388, $0x38;
	[tilespmem:$0x1980] =	vst v63  }
0x3f: {  	_ =	swait.ge [sflag:s9], $0x1388  }
0x40: {  	[sflag:s9] =	ssyncset.done $0x0  }
0x41: {  	s15 =	simm.s32 $0x0;
	[sflag:s9] =	ssyncadd.s32 $0xFFFFEC78  }
0x42: {  	[spmem:s2] =	stream.indirect.scatter.add.f32 [tilespmem:s11], [sflag:$0x1], $0x1, s15, s10, $0xb8;
	[tilespmem:$0x1980] =	vst v63  }
0x43: {  	_ =	swait.ge [sflag:s9], $0x28  }
0x44: {  	s15 =	simm.s32 $0xA0;
	[sflag:s9] =	ssyncset.done $0x0  }
.LBB2_2:
0x45: {  	s16 =	sshra.s32 s15, $0x2;
	[sflag:s9] =	ssyncadd.s32 $0xFFFFFFD8;
	p0 =	sne.s32 s15, $0x4D80  }
0x46: {  	[spmem:s2] =	stream.indirect.scatter.add.f32 [tilespmem:s11], [sflag:$0x1], $0x1, s16, s10, $0xb8;
	[tilespmem:$0x1980] =	vst v63  }
.Ltmp0:
0x47: {  	_ = 	snop;
	(pc) =	sbr.rel @p0 .LBB2_2-.Ltmp0, $4  }
0x48: {  	_ = 	snop  }
0x49: {  	s15 =	sadd.s32 $0xA0, s15  }
0x4a: {  	_ =	swait.ge [sflag:s9], $0x28  }
0x4b: {  	[sflag:s9] =	ssyncset.done $0x0  }
0x4c: {  	s14 =	sadd.s32 $0x1, s14  }
0x4d: {  	[sflag:s9] =	ssyncadd.s32 $0xFFFFFFD8;
	p0 =	sne.s32 s14, s6  }
.Ltmp1:
0x4e: {  	[bflag:$0x0] =	sbarrier.arrive $0xFFFF;
	(pc) =	sbr.rel @p0 .LBB2_1-.Ltmp1, $4  }
0x4f: {  	[hbm:s7], [sflag:s12] =	dma.local [spmem:s13], $0x50  }
0x50: {  	_ =	swait.ge [sflag:s9], $0x50  }
0x51: {  	[sflag:s9] =	ssyncset.done $0x0  }
0x52: {  	[sflag:s9] =	ssyncadd.s32 $0xFFFFFFB0  }
0x53: {  	_ =	sfence.sel $0x180000  }
0x54: {  	[bflag:$0x0] =	sbarrier.arrive $0xFFFF  }
0x55: {  	p0 =	sne.s32 s0, $0x0;
	_ =	strace $0x90000047  }
0x56: {  	s0 =	sadd.s32 @!p0 $0x100000, s1;
	[bflag:$0x2] =	sbarrier.arrive $0xFFFF  }
0x57: {  	[sflag:s0] =	ssyncadd.tile.s32 @!p0 $0x1;
	_ =	shalt  }
.Lfunc_end2:
_tile_overlayer_lowered:
.L_overlay_start_2:
0x58: {  	(tag) =	ssettag $0x2  }
0x59: {  	s0 =	rddreg [dreg:$0x0];
	s2 =	stileid.u32  }
0x5a: {  	s1 =	rddreg [dreg:$0x1];
	p0 =	sne.s32 s2, $0x0  }
0x5b: {  	s3 =	rddreg [dreg:$0x2];
	[bflag:$0x3] =	sbarrier.arrive $0xFFFF;
	s2 =	simm.s32 @!p0 $0x1C01  }
0x5c: {  	[timem:s3], [sflag:s2] =	dma.local @!p0 [hbm:s0], s1  }
0x5d: {  	s0 =	simm.s32 @!p0 $0x1  }
0x5e: {  	_ =	swait.ge @!p0 [sflag:s0], s1  }
0x5f: {  	s1 =	ssub.s32 @!p0 $0x0, s1;
	[sflag:s0] =	ssyncset.done @!p0 $0x0  }
0x60: {  	[sflag:s0] =	ssyncadd.s32 @!p0 s1  }
0x61: {  	[bflag:$0x3] =	sbarrier.arrive $0xFFFF  }
0x62: {  	_ =	shalt  }

</sc_bundles>
